<compile_context>
chip_gen: v7x
topology: tpu7x:2x2x1
jax: 0.10.2.dev20260603
libtpu: 0.0.44.dev20260713+nightly
codegen_flags: <defaults>
</compile_context>

<pallas_src>
import functools

import jax
import jax.numpy as jnp
from jax import lax
from jax.experimental import pallas as pl
from jax.experimental.pallas import tpu as pltpu
from jax.experimental.pallas import tpu_sc as plsc

FIELDS = 26
DIM = 16
BATCH = 4096
VOCAB = 1000012
NC = 2
NW = 32
BPW = BATCH // NW
NTILE = 7813
NFULL = 7812
TAIL = VOCAB - NFULL * 128
PERW = 245


def _make_relayout_kernel():
    mesh = plsc.VectorSubcoreMesh(core_axis_name="c", subcore_axis_name="s")

    @functools.partial(
        pl.kernel,
        mesh=mesh,
        compiler_params=pltpu.CompilerParams(
            use_tc_tiling_on_sc=True, needs_layout_passes=False
        ),
        out_type=jax.ShapeDtypeStruct((VOCAB * DIM,), jnp.float32),
        scratch_types=[
            pltpu.VMEM((DIM, 128), jnp.float32),
            pltpu.VMEM((DIM, 128), jnp.float32),
            pltpu.VMEM((128 * DIM,), jnp.float32),
            pltpu.VMEM((128 * DIM,), jnp.float32),
            pltpu.SemaphoreType.DMA,
            pltpu.SemaphoreType.DMA,
            pltpu.SemaphoreType.DMA,
            pltpu.SemaphoreType.DMA,
        ],
    )
    def relayout(embT_hbm, tail_hbm, flat_hbm, t0_v, t1_v, o0_v, o1_v,
                 rs0, rs1, ws0, ws1):
        wid = lax.axis_index("s") * NC + lax.axis_index("c")
        lane16 = lax.iota(jnp.int32, 16)
        vb = wid * PERW

        def fetch(vc, t_v, rs):
            @pl.when(vc < NFULL)
            def _():
                pltpu.async_copy(
                    embT_hbm.at[:, pl.ds(vc * 128, 128)], t_v, rs
                )

            @pl.when(vc == NFULL)
            def _():
                pltpu.async_copy(tail_hbm, t_v, rs)

        fetch(vb, t0_v, rs0)
        fetch(vb + 1, t1_v, rs1)

        def phase(k, j, t_v, o_v, rs, ws):
            vc = vb + j

            @pl.when((j < PERW) & (vc <= NFULL))
            def _():
                pltpu.make_async_copy(tail_hbm, t_v, rs).wait()

                @pl.when(k >= 1)
                def _():
                    pltpu.make_async_copy(
                        flat_hbm.at[pl.ds(0, 128 * DIM)], o_v, ws
                    ).wait()

                def col(c, carry2):
                    row = plsc.load_gather(
                        t_v, [lane16, jnp.full((16,), c, jnp.int32)]
                    )
                    o_v[pl.ds(c * DIM, DIM)] = row
                    return carry2

                lax.fori_loop(0, 128, col, 0)

                @pl.when(vc < NFULL)
                def _():
                    pltpu.async_copy(
                        o_v,
                        flat_hbm.at[pl.ds(vc * (128 * DIM), 128 * DIM)],
                        ws,
                    )

                @pl.when(vc == NFULL)
                def _():
                    pltpu.async_copy(
                        o_v.at[pl.ds(0, TAIL * DIM)],
                        flat_hbm.at[pl.ds(NFULL * 128 * DIM, TAIL * DIM)],
                        ws,
                    )

                fetch(vc + 2, t_v, rs)

        def step2(k, carry):
            phase(k, 2 * k, t0_v, o0_v, rs0, ws0)
            phase(k, 2 * k + 1, t1_v, o1_v, rs1, ws1)
            return carry

        lax.fori_loop(0, (PERW + 1) // 2, step2, 0)

        @pl.when(wid < NW - 1)
        def _():
            pltpu.make_async_copy(tail_hbm, t0_v, rs0).wait()
            pltpu.make_async_copy(tail_hbm, t1_v, rs1).wait()

        pltpu.make_async_copy(
            flat_hbm.at[pl.ds(0, 128 * DIM)], o0_v, ws0
        ).wait()

        @pl.when(wid < NW - 1)
        def _():
            pltpu.make_async_copy(
                flat_hbm.at[pl.ds(0, 128 * DIM)], o1_v, ws1
            ).wait()

        @pl.when(wid == NW - 1)
        def _():
            pltpu.make_async_copy(
                flat_hbm.at[pl.ds(0, TAIL * DIM)],
                o1_v.at[pl.ds(0, TAIL * DIM)],
                ws1,
            ).wait()

    return relayout


def _make_gather_kernel():
    mesh = plsc.VectorSubcoreMesh(core_axis_name="c", subcore_axis_name="s")

    @functools.partial(
        pl.kernel,
        mesh=mesh,
        compiler_params=pltpu.CompilerParams(
            use_tc_tiling_on_sc=False, needs_layout_passes=False
        ),
        out_type=jax.ShapeDtypeStruct((FIELDS * DIM, NW, BPW), jnp.float32),
        scratch_types=[
            pltpu.VMEM((FIELDS, BPW), jnp.int32),
            pltpu.VMEM((FIELDS * BPW, DIM), jnp.float32),
            pltpu.VMEM((FIELDS * DIM, BPW), jnp.float32),
            pltpu.VMEM((FIELDS, DIM), jnp.float32),
            pltpu.SemaphoreType.DMA,
        ],
    )
    def gather(xT_hbm, emb_hbm, arch_hbm, out_hbm,
               idx_v, rows_v, tout_v, arch_v, sem):
        wid = lax.axis_index("s") * NC + lax.axis_index("c")
        b0 = wid * BPW

        pltpu.sync_copy(xT_hbm.at[:, pl.ds(b0, BPW)], idx_v)
        pltpu.sync_copy(arch_hbm, arch_v)

        def fire(f, carry):
            pltpu.async_copy(
                emb_hbm.at[idx_v.at[f]], rows_v.at[pl.ds(f * BPW, BPW)], sem
            )
            return carry

        lax.fori_loop(0, FIELDS, fire, 0)

        lane = lax.iota(jnp.int32, 16)

        pltpu.make_async_copy(out_hbm.at[:, wid], rows_v, sem).wait()

        def trans_f(f, carry):
            splat = arch_v[f]
            fd_idx = f * DIM + lane

            def trans_b(b4, carry2):
                b = b4 * 4
                for u in range(4):
                    row = rows_v[f * BPW + b + u] * splat
                    plsc.store_scatter(
                        tout_v,
                        [fd_idx, jnp.full((16,), b + u, jnp.int32)],
                        row,
                    )
                return carry2

            lax.fori_loop(0, BPW // 4, trans_b, 0)
            return carry

        lax.fori_loop(0, FIELDS, trans_f, 0)
        pltpu.sync_copy(tout_v, out_hbm.at[:, wid])

    return gather


_relayout = _make_relayout_kernel()
_gather = _make_gather_kernel()


def kernel(x, embedding, arch):
    embT = embedding.T
    tail = jnp.pad(embedding[NFULL * 128:], ((0, 128 - TAIL), (0, 0))).T
    flat = _relayout(embT, tail)
    xT = x.T
    arch_b = jnp.broadcast_to(arch[:, None], (FIELDS, DIM))
    out = _gather(xT, flat.reshape(VOCAB, DIM), arch_b)
    return out.reshape(FIELDS, DIM, BATCH).transpose(2, 0, 1)

# --- scband reference (transcript-rebuilt; emitter-appended) ---
"""Pipeline reference for scband-basic-model-7859790151733 (READ-ONLY COPY).

The authoritative reference and input builder live on the scoring server;
editing this copy changes nothing except your own understanding.
"""

import jax, jax.numpy as jnp
import numpy as np

FIELD_NUM = 26
FIELD_DIM = [38462] * FIELD_NUM
FEATURE_NUM = sum(FIELD_DIM)  # 1000012
LATENT_DIM = 16
BATCH = 4096


def setup_inputs(seed: int = 0) -> dict:
    key = jax.random.key(seed)
    k1, k2 = jax.random.split(key, 2)
    # sparse feature indices, one per field, flattened into global id space
    x = jax.random.randint(k1, (BATCH, FIELD_NUM), 0, FEATURE_NUM, dtype=jnp.int32)
    # xavier-uniform initialized embedding table [feature_num, latent_dim]
    bound = float(np.sqrt(6.0 / (FEATURE_NUM + LATENT_DIM)))
    embedding = jax.random.uniform(k2, (FEATURE_NUM, LATENT_DIM), dtype=jnp.float32, minval=-bound, maxval=bound)
    # arch gate: dis_arch = where(arch > 0, 1, 0); init arch is all 1.0 -> all ones
    arch = jnp.ones((FIELD_NUM,), dtype=jnp.float32)
    return {"x": x, "embedding": embedding, "arch": arch}


def reference(x, embedding, arch):
    # xv = F.embedding(x, self.embedding)
    xv = jnp.take(embedding, x, axis=0)  # [B, F, D]
    # xe = xv * arch.unsqueeze(0).unsqueeze(2)
    xe = xv * arch[None, :, None]
    return xe

if __name__ == "__main__":
    import jax
    _d = setup_inputs()
    print(jax.jit(kernel)(*tuple(_d.values())))

</pallas_src>

<mosaic_0001>
#map = affine_map<(d0, d1) -> (0, 0)>
#map1 = affine_map<(d0, d1) -> (0, 0, 0)>
module attributes {stable_mosaic.version = 14 : i64} {
  func.func @gather(%arg0: i32, %arg1: i32, %arg2: memref<26x4096xi32, #tpu.memory_space<hbm>>, %arg3: memref<1000012x16xf32, #tpu.memory_space<hbm>>, %arg4: memref<26x16xf32, #tpu.memory_space<hbm>>, %arg5: memref<416x32x128xf32, #tpu.memory_space<hbm>>, %arg6: memref<26x128xi32, #tpu.memory_space<vmem>>, %arg7: memref<3328x16xf32, #tpu.memory_space<vmem>>, %arg8: memref<416x128xf32, #tpu.memory_space<vmem>>, %arg9: memref<26x16xf32, #tpu.memory_space<vmem>>, %arg10: memref<!tpu.dma_semaphore, #tpu.memory_space<semaphore_mem>>) attributes {dimension_semantics = [#tpu.dimension_semantics<core_parallel>, #tpu.dimension_semantics<subcore_parallel>], iteration_bounds = array<i64: 2, 16>, scalar_prefetch = 0 : i64, scratch_operands = 5 : i64, tpu.core_type = #tpu.core_type<sc_vector_subcore>, window_params = [{transform_indices = #map}, {transform_indices = #map}, {transform_indices = #map}, {transform_indices = #map1}]} {
    %mul3A = arith.constant 2 : i32
    %mul3A_0 = arith.muli %arg1, %mul3A : i32
    %add3A = arith.addi %mul3A_0, %arg0 : i32
    %mul3A_1 = arith.constant 128 : i32
    %mul3A_2 = arith.muli %add3A, %mul3A_1 : i32
    "tpu.region"() ({
      %run_scoped3A = tpu.sem_alloc : memref<!tpu.dma_semaphore, #tpu.memory_space<semaphore_mem>>
      %dma_start3A = arith.constant 0 : i32
      %dma_start3A_21 = tpu.memref_slice %arg2[%dma_start3A, %mul3A_2] : memref<26x4096xi32, #tpu.memory_space<hbm>> -> memref<26x128xi32, #tpu.memory_space<hbm>>
      %dma_start3A_22 = arith.constant 0 : i32
      %dma_start3A_23 = tpu.memref_slice %arg2[%dma_start3A_22, %mul3A_2] : memref<26x4096xi32, #tpu.memory_space<hbm>> -> memref<26x128xi32, #tpu.memory_space<hbm>>
      tpu.enqueue_dma source(%dma_start3A_23 : memref<26x128xi32, #tpu.memory_space<hbm>>) target(%arg6 : memref<26x128xi32, #tpu.memory_space<vmem>>) target_semaphore(%run_scoped3A : memref<!tpu.dma_semaphore, #tpu.memory_space<semaphore_mem>>)
      %dma_wait3A_24 = arith.constant 0 : i32
      %dma_wait3A_25 = tpu.memref_slice %arg2[%dma_wait3A_24, %mul3A_2] : memref<26x4096xi32, #tpu.memory_space<hbm>> -> memref<26x128xi32, #tpu.memory_space<hbm>>
      %dma_wait3A_26 = arith.constant 0 : i32
      %dma_wait3A_27 = tpu.memref_slice %arg2[%dma_wait3A_26, %mul3A_2] : memref<26x4096xi32, #tpu.memory_space<hbm>> -> memref<26x128xi32, #tpu.memory_space<hbm>>
      tpu.wait_dma2 semaphore(%run_scoped3A : memref<!tpu.dma_semaphore, #tpu.memory_space<semaphore_mem>>) src(%dma_wait3A_27 : memref<26x128xi32, #tpu.memory_space<hbm>>) dst(%arg6 : memref<26x128xi32, #tpu.memory_space<vmem>>)
      tpu.yield
    }) : () -> ()
    "tpu.region"() ({
      %run_scoped3A = tpu.sem_alloc : memref<!tpu.dma_semaphore, #tpu.memory_space<semaphore_mem>>
      tpu.enqueue_dma source(%arg4 : memref<26x16xf32, #tpu.memory_space<hbm>>) target(%arg9 : memref<26x16xf32, #tpu.memory_space<vmem>>) target_semaphore(%run_scoped3A : memref<!tpu.dma_semaphore, #tpu.memory_space<semaphore_mem>>)
      tpu.wait_dma2 semaphore(%run_scoped3A : memref<!tpu.dma_semaphore, #tpu.memory_space<semaphore_mem>>) src(%arg4 : memref<26x16xf32, #tpu.memory_space<hbm>>) dst(%arg9 : memref<26x16xf32, #tpu.memory_space<vmem>>)
      tpu.yield
    }) : () -> ()
    %scan3A = arith.constant 0 : i32
    %scan3A_3 = arith.constant 0 : i32
    %scan3A_4 = arith.constant 26 : i32
    %scan3A_5 = arith.addi %scan3A_3, %scan3A_4 : i32
    %scan3A_6 = arith.constant 1 : i32
    scf.for %scan3A_21 = %scan3A_3 to %scan3A_5 step %scan3A_6  : i32 {
      %mul3A_22 = arith.constant 128 : i32
      %mul3A_23 = arith.muli %scan3A_21, %mul3A_22 : i32
      %dma_start3A = arith.constant 0 : i32
      %dma_start3A_24 = tpu.memref_slice %arg7[%mul3A_23, %dma_start3A] : memref<3328x16xf32, #tpu.memory_space<vmem>> -> memref<128x16xf32, #tpu.memory_space<vmem>>
      %dma_start3A_25 = arith.constant 0 : i32
      %dma_start3A_26 = tpu.memref_slice %arg6[%scan3A_21, %dma_start3A_25] : memref<26x128xi32, #tpu.memory_space<vmem>> -> memref<1x128xi32, #tpu.memory_space<vmem>>
      %dma_start3A_27 = tpu.memref_squeeze %dma_start3A_26 : memref<1x128xi32, #tpu.memory_space<vmem>> -> memref<128xi32, #tpu.memory_space<vmem>>
      %dma_start3A_28 = arith.constant 0 : i32
      %dma_start3A_29 = arith.constant 0 : i32
      %dma_start3A_30 = tpu.memref_slice %arg3[%dma_start3A_28, %dma_start3A_29] : memref<1000012x16xf32, #tpu.memory_space<hbm>> -> memref<1000012x16xf32, #tpu.memory_space<hbm>>
      tpu.enqueue_indirect_dma source(%dma_start3A_30 : memref<1000012x16xf32, #tpu.memory_space<hbm>>) target(%dma_start3A_24 : memref<128x16xf32, #tpu.memory_space<vmem>>) offsets(%dma_start3A_27 : memref<128xi32, #tpu.memory_space<vmem>>) semaphore(%arg10 : memref<!tpu.dma_semaphore, #tpu.memory_space<semaphore_mem>>)
    }
    %scan3A_7 = arith.constant 26 : i32
    %iota3A = tpu.iota {dimensions = array<i32: 0>} : vector<16xi32>
    %dma_wait3A = arith.constant 0 : i32
    %dma_wait3A_8 = arith.constant 0 : i32
    %dma_wait3A_9 = tpu.memref_slice %arg5[%dma_wait3A, %add3A, %dma_wait3A_8] : memref<416x32x128xf32, #tpu.memory_space<hbm>> -> memref<416x1x128xf32, #tpu.memory_space<hbm>>
    %dma_wait3A_10 = tpu.memref_squeeze %dma_wait3A_9 : memref<416x1x128xf32, #tpu.memory_space<hbm>> -> memref<416x128xf32, #tpu.memory_space<hbm>>
    %dma_wait3A_11 = arith.constant 0 : i32
    %dma_wait3A_12 = arith.constant 0 : i32
    %dma_wait3A_13 = tpu.memref_slice %arg5[%dma_wait3A_11, %add3A, %dma_wait3A_12] : memref<416x32x128xf32, #tpu.memory_space<hbm>> -> memref<416x1x128xf32, #tpu.memory_space<hbm>>
    %dma_wait3A_14 = tpu.memref_squeeze %dma_wait3A_13 : memref<416x1x128xf32, #tpu.memory_space<hbm>> -> memref<416x128xf32, #tpu.memory_space<hbm>>
    tpu.wait_dma2 semaphore(%arg10 : memref<!tpu.dma_semaphore, #tpu.memory_space<semaphore_mem>>) src(%dma_wait3A_14 : memref<416x128xf32, #tpu.memory_space<hbm>>) dst(%arg7 : memref<3328x16xf32, #tpu.memory_space<vmem>>)
    %scan3A_15 = arith.constant 0 : i32
    %scan3A_16 = arith.constant 0 : i32
    %scan3A_17 = arith.constant 26 : i32
    %scan3A_18 = arith.addi %scan3A_16, %scan3A_17 : i32
    %scan3A_19 = arith.constant 1 : i32
    scf.for %scan3A_21 = %scan3A_16 to %scan3A_18 step %scan3A_19  : i32 {
      %get3A = arith.index_cast %scan3A_21 : i32 to index
      %get3A_22 = arith.constant 0 : index
      %get3A_23 = tpu.vector_load %arg9[%get3A, %get3A_22] {strides = array<i32>} : memref<26x16xf32, #tpu.memory_space<vmem>>, vector<16xf32>,
      %mul3A_24 = arith.constant 16 : i32
      %mul3A_25 = arith.muli %scan3A_21, %mul3A_24 : i32
      %add3A_26 = vector.broadcast %mul3A_25 : i32 to vector<16xi32>
      %add3A_27 = arith.addi %add3A_26, %iota3A : vector<16xi32>
      %scan3A_28 = arith.constant 0 : i32
      %scan3A_29 = arith.constant 0 : i32
      %scan3A_30 = arith.constant 32 : i32
      %scan3A_31 = arith.addi %scan3A_29, %scan3A_30 : i32
      %scan3A_32 = arith.constant 1 : i32
      scf.for %scan3A_34 = %scan3A_29 to %scan3A_31 step %scan3A_32  : i32 {
        %mul3A_35 = arith.constant 4 : i32
        %mul3A_36 = arith.muli %scan3A_34, %mul3A_35 : i32
        %mul3A_37 = arith.constant 128 : i32
        %mul3A_38 = arith.muli %scan3A_21, %mul3A_37 : i32
        %add3A_39 = arith.addi %mul3A_38, %mul3A_36 : i32
        %add3A_40 = arith.constant 0 : i32
        %add3A_41 = arith.addi %add3A_39, %add3A_40 : i32
        %get3A_42 = arith.index_cast %add3A_41 : i32 to index
        %get3A_43 = arith.constant 0 : index
        %get3A_44 = tpu.vector_load %arg7[%get3A_42, %get3A_43] {strides = array<i32>} : memref<3328x16xf32, #tpu.memory_space<vmem>>, vector<16xf32>,
        %mul3A_45 = arith.mulf %get3A_44, %get3A_23 : vector<16xf32>
        %add3A_46 = arith.constant 0 : i32
        %add3A_47 = arith.addi %mul3A_36, %add3A_46 : i32
        %broadcast_in_dim3A = vector.broadcast %add3A_47 : i32 to vector<16xi32>
        tpu.vector_store_idx %arg8[%add3A_27, %broadcast_in_dim3A], %mul3A_45 : memref<416x128xf32, #tpu.memory_space<vmem>>[vector<16xi32>, vector<16xi32>], vector<16xf32>,
        %mul3A_48 = arith.constant 128 : i32
        %mul3A_49 = arith.muli %scan3A_21, %mul3A_48 : i32
        %add3A_50 = arith.addi %mul3A_49, %mul3A_36 : i32
        %add3A_51 = arith.constant 1 : i32
        %add3A_52 = arith.addi %add3A_50, %add3A_51 : i32
        %get3A_53 = arith.index_cast %add3A_52 : i32 to index
        %get3A_54 = arith.constant 0 : index
        %get3A_55 = tpu.vector_load %arg7[%get3A_53, %get3A_54] {strides = array<i32>} : memref<3328x16xf32, #tpu.memory_space<vmem>>, vector<16xf32>,
        %mul3A_56 = arith.mulf %get3A_55, %get3A_23 : vector<16xf32>
        %add3A_57 = arith.constant 1 : i32
        %add3A_58 = arith.addi %mul3A_36, %add3A_57 : i32
        %broadcast_in_dim3A_59 = vector.broadcast %add3A_58 : i32 to vector<16xi32>
        tpu.vector_store_idx %arg8[%add3A_27, %broadcast_in_dim3A_59], %mul3A_56 : memref<416x128xf32, #tpu.memory_space<vmem>>[vector<16xi32>, vector<16xi32>], vector<16xf32>,
        %mul3A_60 = arith.constant 128 : i32
        %mul3A_61 = arith.muli %scan3A_21, %mul3A_60 : i32
        %add3A_62 = arith.addi %mul3A_61, %mul3A_36 : i32
        %add3A_63 = arith.constant 2 : i32
        %add3A_64 = arith.addi %add3A_62, %add3A_63 : i32
        %get3A_65 = arith.index_cast %add3A_64 : i32 to index
        %get3A_66 = arith.constant 0 : index
        %get3A_67 = tpu.vector_load %arg7[%get3A_65, %get3A_66] {strides = array<i32>} : memref<3328x16xf32, #tpu.memory_space<vmem>>, vector<16xf32>,
        %mul3A_68 = arith.mulf %get3A_67, %get3A_23 : vector<16xf32>
        %add3A_69 = arith.constant 2 : i32
        %add3A_70 = arith.addi %mul3A_36, %add3A_69 : i32
        %broadcast_in_dim3A_71 = vector.broadcast %add3A_70 : i32 to vector<16xi32>
        tpu.vector_store_idx %arg8[%add3A_27, %broadcast_in_dim3A_71], %mul3A_68 : memref<416x128xf32, #tpu.memory_space<vmem>>[vector<16xi32>, vector<16xi32>], vector<16xf32>,
        %mul3A_72 = arith.constant 128 : i32
        %mul3A_73 = arith.muli %scan3A_21, %mul3A_72 : i32
        %add3A_74 = arith.addi %mul3A_73, %mul3A_36 : i32
        %add3A_75 = arith.constant 3 : i32
        %add3A_76 = arith.addi %add3A_74, %add3A_75 : i32
        %get3A_77 = arith.index_cast %add3A_76 : i32 to index
        %get3A_78 = arith.constant 0 : index
        %get3A_79 = tpu.vector_load %arg7[%get3A_77, %get3A_78] {strides = array<i32>} : memref<3328x16xf32, #tpu.memory_space<vmem>>, vector<16xf32>,
        %mul3A_80 = arith.mulf %get3A_79, %get3A_23 : vector<16xf32>
        %add3A_81 = arith.constant 3 : i32
        %add3A_82 = arith.addi %mul3A_36, %add3A_81 : i32
        %broadcast_in_dim3A_83 = vector.broadcast %add3A_82 : i32 to vector<16xi32>
        tpu.vector_store_idx %arg8[%add3A_27, %broadcast_in_dim3A_83], %mul3A_80 : memref<416x128xf32, #tpu.memory_space<vmem>>[vector<16xi32>, vector<16xi32>], vector<16xf32>,
      }
      %scan3A_33 = arith.constant 32 : i32
    }
    %scan3A_20 = arith.constant 26 : i32
    "tpu.region"() ({
      %run_scoped3A = tpu.sem_alloc : memref<!tpu.dma_semaphore, #tpu.memory_space<semaphore_mem>>
      %dma_start3A = arith.constant 0 : i32
      %dma_start3A_21 = arith.constant 0 : i32
      %dma_start3A_22 = tpu.memref_slice %arg5[%dma_start3A, %add3A, %dma_start3A_21] : memref<416x32x128xf32, #tpu.memory_space<hbm>> -> memref<416x1x128xf32, #tpu.memory_space<hbm>>
      %dma_start3A_23 = tpu.memref_squeeze %dma_start3A_22 : memref<416x1x128xf32, #tpu.memory_space<hbm>> -> memref<416x128xf32, #tpu.memory_space<hbm>>
      %dma_start3A_24 = arith.constant 0 : i32
      %dma_start3A_25 = arith.constant 0 : i32
      %dma_start3A_26 = tpu.memref_slice %arg5[%dma_start3A_24, %add3A, %dma_start3A_25] : memref<416x32x128xf32, #tpu.memory_space<hbm>> -> memref<416x1x128xf32, #tpu.memory_space<hbm>>
      %dma_start3A_27 = tpu.memref_squeeze %dma_start3A_26 : memref<416x1x128xf32, #tpu.memory_space<hbm>> -> memref<416x128xf32, #tpu.memory_space<hbm>>
      tpu.enqueue_dma source(%arg8 : memref<416x128xf32, #tpu.memory_space<vmem>>) target(%dma_start3A_27 : memref<416x128xf32, #tpu.memory_space<hbm>>) target_semaphore(%run_scoped3A : memref<!tpu.dma_semaphore, #tpu.memory_space<semaphore_mem>>)
      %dma_wait3A_28 = arith.constant 0 : i32
      %dma_wait3A_29 = arith.constant 0 : i32
      %dma_wait3A_30 = tpu.memref_slice %arg5[%dma_wait3A_28, %add3A, %dma_wait3A_29] : memref<416x32x128xf32, #tpu.memory_space<hbm>> -> memref<416x1x128xf32, #tpu.memory_space<hbm>>
      %dma_wait3A_31 = tpu.memref_squeeze %dma_wait3A_30 : memref<416x1x128xf32, #tpu.memory_space<hbm>> -> memref<416x128xf32, #tpu.memory_space<hbm>>
      %dma_wait3A_32 = arith.constant 0 : i32
      %dma_wait3A_33 = arith.constant 0 : i32
      %dma_wait3A_34 = tpu.memref_slice %arg5[%dma_wait3A_32, %add3A, %dma_wait3A_33] : memref<416x32x128xf32, #tpu.memory_space<hbm>> -> memref<416x1x128xf32, #tpu.memory_space<hbm>>
      %dma_wait3A_35 = tpu.memref_squeeze %dma_wait3A_34 : memref<416x1x128xf32, #tpu.memory_space<hbm>> -> memref<416x128xf32, #tpu.memory_space<hbm>>
      tpu.wait_dma2 semaphore(%run_scoped3A : memref<!tpu.dma_semaphore, #tpu.memory_space<semaphore_mem>>) src(%arg8 : memref<416x128xf32, #tpu.memory_space<vmem>>) dst(%dma_wait3A_35 : memref<416x128xf32, #tpu.memory_space<hbm>>)
      tpu.yield
    }) : () -> ()
    return
  }
}

#map = affine_map<(d0, d1) -> (0, 0)>
#map1 = affine_map<(d0, d1) -> (0)>
module attributes {stable_mosaic.version = 14 : i64} {
  func.func @relayout(%arg0: i32, %arg1: i32, %arg2: memref<16x1000012xf32, #tpu.memory_space<hbm>>, %arg3: memref<16x128xf32, #tpu.memory_space<hbm>>, %arg4: memref<16000192xf32, #tpu.memory_space<hbm>>, %arg5: memref<16x128xf32, #tpu.memory_space<vmem>>, %arg6: memref<16x128xf32, #tpu.memory_space<vmem>>, %arg7: memref<2048xf32, #tpu.memory_space<vmem>>, %arg8: memref<2048xf32, #tpu.memory_space<vmem>>, %arg9: memref<!tpu.dma_semaphore, #tpu.memory_space<semaphore_mem>>, %arg10: memref<!tpu.dma_semaphore, #tpu.memory_space<semaphore_mem>>, %arg11: memref<!tpu.dma_semaphore, #tpu.memory_space<semaphore_mem>>, %arg12: memref<!tpu.dma_semaphore, #tpu.memory_space<semaphore_mem>>) attributes {dimension_semantics = [#tpu.dimension_semantics<core_parallel>, #tpu.dimension_semantics<subcore_parallel>], iteration_bounds = array<i64: 2, 16>, scalar_prefetch = 0 : i64, scratch_operands = 8 : i64, tpu.core_type = #tpu.core_type<sc_vector_subcore>, window_params = [{transform_indices = #map}, {transform_indices = #map}, {transform_indices = #map1}]} {
    %mul3A = arith.constant 2 : i32
    %mul3A_0 = arith.muli %arg1, %mul3A : i32
    %add3A = arith.addi %mul3A_0, %arg0 : i32
    %iota3A = tpu.iota {dimensions = array<i32: 0>} : vector<16xi32>
    %mul3A_1 = arith.constant 245 : i32
    %mul3A_2 = arith.muli %add3A, %mul3A_1 : i32
    %lt3A = arith.constant 7812 : i32
    %lt3A_3 = arith.cmpi slt, %mul3A_2, %lt3A : i32
    %convert_element_type3A = arith.extui %lt3A_3 : i1 to i32
    %cond3A = arith.constant 0 : i32
    %cond3A_4 = arith.cmpi ne, %convert_element_type3A, %cond3A : i32
    scf.if %cond3A_4 {
      %mul3A_44 = arith.constant 128 : i32
      %mul3A_45 = arith.muli %mul3A_2, %mul3A_44 : i32
      %dma_start3A = arith.constant 0 : i32
      %dma_start3A_46 = tpu.memref_slice %arg2[%dma_start3A, %mul3A_45] : memref<16x1000012xf32, #tpu.memory_space<hbm>> -> memref<16x128xf32, #tpu.memory_space<hbm>>
      %dma_start3A_47 = arith.constant 0 : i32
      %dma_start3A_48 = tpu.memref_slice %arg2[%dma_start3A_47, %mul3A_45] : memref<16x1000012xf32, #tpu.memory_space<hbm>> -> memref<16x128xf32, #tpu.memory_space<hbm>>
      tpu.enqueue_dma source(%dma_start3A_48 : memref<16x128xf32, #tpu.memory_space<hbm>>) target(%arg5 : memref<16x128xf32, #tpu.memory_space<vmem>>) target_semaphore(%arg9 : memref<!tpu.dma_semaphore, #tpu.memory_space<semaphore_mem>>)
    } else {
    }
    %eq3A = arith.constant 7812 : i32
    %eq3A_5 = arith.cmpi eq, %mul3A_2, %eq3A : i32
    %convert_element_type3A_6 = arith.extui %eq3A_5 : i1 to i32
    %cond3A_7 = arith.constant 0 : i32
    %cond3A_8 = arith.cmpi ne, %convert_element_type3A_6, %cond3A_7 : i32
    scf.if %cond3A_8 {
      tpu.enqueue_dma source(%arg3 : memref<16x128xf32, #tpu.memory_space<hbm>>) target(%arg5 : memref<16x128xf32, #tpu.memory_space<vmem>>) target_semaphore(%arg9 : memref<!tpu.dma_semaphore, #tpu.memory_space<semaphore_mem>>)
    } else {
    }
    %add3A_9 = arith.constant 1 : i32
    %add3A_10 = arith.addi %mul3A_2, %add3A_9 : i32
    %lt3A_11 = arith.constant 7812 : i32
    %lt3A_12 = arith.cmpi slt, %add3A_10, %lt3A_11 : i32
    %convert_element_type3A_13 = arith.extui %lt3A_12 : i1 to i32
    %cond3A_14 = arith.constant 0 : i32
    %cond3A_15 = arith.cmpi ne, %convert_element_type3A_13, %cond3A_14 : i32
    scf.if %cond3A_15 {
      %mul3A_44 = arith.constant 128 : i32
      %mul3A_45 = arith.muli %add3A_10, %mul3A_44 : i32
      %dma_start3A = arith.constant 0 : i32
      %dma_start3A_46 = tpu.memref_slice %arg2[%dma_start3A, %mul3A_45] : memref<16x1000012xf32, #tpu.memory_space<hbm>> -> memref<16x128xf32, #tpu.memory_space<hbm>>
      %dma_start3A_47 = arith.constant 0 : i32
      %dma_start3A_48 = tpu.memref_slice %arg2[%dma_start3A_47, %mul3A_45] : memref<16x1000012xf32, #tpu.memory_space<hbm>> -> memref<16x128xf32, #tpu.memory_space<hbm>>
      tpu.enqueue_dma source(%dma_start3A_48 : memref<16x128xf32, #tpu.memory_space<hbm>>) target(%arg6 : memref<16x128xf32, #tpu.memory_space<vmem>>) target_semaphore(%arg10 : memref<!tpu.dma_semaphore, #tpu.memory_space<semaphore_mem>>)
    } else {
    }
    %eq3A_16 = arith.constant 7812 : i32
    %eq3A_17 = arith.cmpi eq, %add3A_10, %eq3A_16 : i32
    %convert_element_type3A_18 = arith.extui %eq3A_17 : i1 to i32
    %cond3A_19 = arith.constant 0 : i32
    %cond3A_20 = arith.cmpi ne, %convert_element_type3A_18, %cond3A_19 : i32
    scf.if %cond3A_20 {
      tpu.enqueue_dma source(%arg3 : memref<16x128xf32, #tpu.memory_space<hbm>>) target(%arg6 : memref<16x128xf32, #tpu.memory_space<vmem>>) target_semaphore(%arg10 : memref<!tpu.dma_semaphore, #tpu.memory_space<semaphore_mem>>)
    } else {
    }
    %scan3A = arith.constant 0 : i32
    %scan3A_21 = arith.constant 0 : i32
    %scan3A_22 = arith.constant 123 : i32
    %scan3A_23 = arith.addi %scan3A_21, %scan3A_22 : i32
    %scan3A_24 = arith.constant 1 : i32
    scf.for %scan3A_44 = %scan3A_21 to %scan3A_23 step %scan3A_24  : i32 {
      %mul3A_45 = arith.constant 2 : i32
      %mul3A_46 = arith.muli %mul3A_45, %scan3A_44 : i32
      %add3A_47 = arith.addi %mul3A_2, %mul3A_46 : i32
      %lt3A_48 = arith.constant 245 : i32
      %lt3A_49 = arith.cmpi slt, %mul3A_46, %lt3A_48 : i32
      %le3A = arith.constant 7812 : i32
      %le3A_50 = arith.cmpi sle, %add3A_47, %le3A : i32
      %and3A = arith.andi %lt3A_49, %le3A_50 : i1
      %convert_element_type3A_51 = arith.extui %and3A : i1 to i32
      %cond3A_52 = arith.constant 0 : i32
      %cond3A_53 = arith.cmpi ne, %convert_element_type3A_51, %cond3A_52 : i32
      scf.if %cond3A_53 {
        tpu.wait_dma2 semaphore(%arg9 : memref<!tpu.dma_semaphore, #tpu.memory_space<semaphore_mem>>) src(%arg3 : memref<16x128xf32, #tpu.memory_space<hbm>>) dst(%arg5 : memref<16x128xf32, #tpu.memory_space<vmem>>)
        %ge3A = arith.constant 1 : i32
        %ge3A_67 = arith.cmpi sge, %scan3A_44, %ge3A : i32
        %convert_element_type3A_68 = arith.extui %ge3A_67 : i1 to i32
        %cond3A_69 = arith.constant 0 : i32
        %cond3A_70 = arith.cmpi ne, %convert_element_type3A_68, %cond3A_69 : i32
        scf.if %cond3A_70 {
          %dma_wait3A_99 = arith.constant 0 : i32
          %dma_wait3A_100 = tpu.memref_slice %arg4[%dma_wait3A_99] : memref<16000192xf32, #tpu.memory_space<hbm>> -> memref<2048xf32, #tpu.memory_space<hbm>>
          %dma_wait3A_101 = arith.constant 0 : i32
          %dma_wait3A_102 = tpu.memref_slice %arg4[%dma_wait3A_101] : memref<16000192xf32, #tpu.memory_space<hbm>> -> memref<2048xf32, #tpu.memory_space<hbm>>
          tpu.wait_dma2 semaphore(%arg11 : memref<!tpu.dma_semaphore, #tpu.memory_space<semaphore_mem>>) src(%dma_wait3A_102 : memref<2048xf32, #tpu.memory_space<hbm>>) dst(%arg7 : memref<2048xf32, #tpu.memory_space<vmem>>)
        } else {
        }
        %scan3A_71 = arith.constant 0 : i32
        %scan3A_72 = arith.constant 0 : i32
        %scan3A_73 = arith.constant 128 : i32
        %scan3A_74 = arith.addi %scan3A_72, %scan3A_73 : i32
        %scan3A_75 = arith.constant 1 : i32
        scf.for %scan3A_99 = %scan3A_72 to %scan3A_74 step %scan3A_75  : i32 {
          %broadcast_in_dim3A = vector.broadcast %scan3A_99 : i32 to vector<16xi32>
          %gather3A = tpu.vector_load_idx %arg5[%iota3A, %broadcast_in_dim3A] : memref<16x128xf32, #tpu.memory_space<vmem>>[vector<16xi32>, vector<16xi32>], vector<16xf32>,
          %mul3A_100 = arith.constant 16 : i32
          %mul3A_101 = arith.muli %scan3A_99, %mul3A_100 : i32
          %swap3A = arith.index_cast %mul3A_101 : i32 to index
          %swap3A_102 = tpu.vector_load %arg7[%swap3A] {strides = array<i32>} : memref<2048xf32, #tpu.memory_space<vmem>>, vector<16xf32>,
          tpu.vector_store %arg7[%swap3A], %gather3A {strides = array<i32>} : memref<2048xf32, #tpu.memory_space<vmem>>, vector<16xf32>,
        }
        %scan3A_76 = arith.constant 128 : i32
        %lt3A_77 = arith.constant 7812 : i32
        %lt3A_78 = arith.cmpi slt, %add3A_47, %lt3A_77 : i32
        %convert_element_type3A_79 = arith.extui %lt3A_78 : i1 to i32
        %cond3A_80 = arith.constant 0 : i32
        %cond3A_81 = arith.cmpi ne, %convert_element_type3A_79, %cond3A_80 : i32
        scf.if %cond3A_81 {
          %mul3A_99 = arith.constant 2048 : i32
          %mul3A_100 = arith.muli %add3A_47, %mul3A_99 : i32
          %dma_start3A = tpu.memref_slice %arg4[%mul3A_100] : memref<16000192xf32, #tpu.memory_space<hbm>> -> memref<2048xf32, #tpu.memory_space<hbm>>
          %dma_start3A_101 = tpu.memref_slice %arg4[%mul3A_100] : memref<16000192xf32, #tpu.memory_space<hbm>> -> memref<2048xf32, #tpu.memory_space<hbm>>
          tpu.enqueue_dma source(%arg7 : memref<2048xf32, #tpu.memory_space<vmem>>) target(%dma_start3A_101 : memref<2048xf32, #tpu.memory_space<hbm>>) target_semaphore(%arg11 : memref<!tpu.dma_semaphore, #tpu.memory_space<semaphore_mem>>)
        } else {
        }
        %eq3A_82 = arith.constant 7812 : i32
        %eq3A_83 = arith.cmpi eq, %add3A_47, %eq3A_82 : i32
        %convert_element_type3A_84 = arith.extui %eq3A_83 : i1 to i32
        %cond3A_85 = arith.constant 0 : i32
        %cond3A_86 = arith.cmpi ne, %convert_element_type3A_84, %cond3A_85 : i32
        scf.if %cond3A_86 {
          %dma_start3A = arith.constant 0 : i32
          %dma_start3A_99 = tpu.memref_slice %arg7[%dma_start3A] : memref<2048xf32, #tpu.memory_space<vmem>> -> memref<1216xf32, #tpu.memory_space<vmem>>
          %dma_start3A_100 = arith.constant 15998976 : i32
          %dma_start3A_101 = tpu.memref_slice %arg4[%dma_start3A_100] : memref<16000192xf32, #tpu.memory_space<hbm>> -> memref<1216xf32, #tpu.memory_space<hbm>>
          %dma_start3A_102 = arith.constant 15998976 : i32
          %dma_start3A_103 = tpu.memref_slice %arg4[%dma_start3A_102] : memref<16000192xf32, #tpu.memory_space<hbm>> -> memref<1216xf32, #tpu.memory_space<hbm>>
          %dma_start3A_104 = arith.constant 0 : i32
          %dma_start3A_105 = tpu.memref_slice %arg7[%dma_start3A_104] : memref<2048xf32, #tpu.memory_space<vmem>> -> memref<1216xf32, #tpu.memory_space<vmem>>
          tpu.enqueue_dma source(%dma_start3A_105 : memref<1216xf32, #tpu.memory_space<vmem>>) target(%dma_start3A_103 : memref<1216xf32, #tpu.memory_space<hbm>>) target_semaphore(%arg11 : memref<!tpu.dma_semaphore, #tpu.memory_space<semaphore_mem>>)
        } else {
        }
        %add3A_87 = arith.constant 2 : i32
        %add3A_88 = arith.addi %add3A_47, %add3A_87 : i32
        %lt3A_89 = arith.constant 7812 : i32
        %lt3A_90 = arith.cmpi slt, %add3A_88, %lt3A_89 : i32
        %convert_element_type3A_91 = arith.extui %lt3A_90 : i1 to i32
        %cond3A_92 = arith.constant 0 : i32
        %cond3A_93 = arith.cmpi ne, %convert_element_type3A_91, %cond3A_92 : i32
        scf.if %cond3A_93 {
          %mul3A_99 = arith.constant 128 : i32
          %mul3A_100 = arith.muli %add3A_88, %mul3A_99 : i32
          %dma_start3A = arith.constant 0 : i32
          %dma_start3A_101 = tpu.memref_slice %arg2[%dma_start3A, %mul3A_100] : memref<16x1000012xf32, #tpu.memory_space<hbm>> -> memref<16x128xf32, #tpu.memory_space<hbm>>
          %dma_start3A_102 = arith.constant 0 : i32
          %dma_start3A_103 = tpu.memref_slice %arg2[%dma_start3A_102, %mul3A_100] : memref<16x1000012xf32, #tpu.memory_space<hbm>> -> memref<16x128xf32, #tpu.memory_space<hbm>>
          tpu.enqueue_dma source(%dma_start3A_103 : memref<16x128xf32, #tpu.memory_space<hbm>>) target(%arg5 : memref<16x128xf32, #tpu.memory_space<vmem>>) target_semaphore(%arg9 : memref<!tpu.dma_semaphore, #tpu.memory_space<semaphore_mem>>)
        } else {
        }
        %eq3A_94 = arith.constant 7812 : i32
        %eq3A_95 = arith.cmpi eq, %add3A_88, %eq3A_94 : i32
        %convert_element_type3A_96 = arith.extui %eq3A_95 : i1 to i32
        %cond3A_97 = arith.constant 0 : i32
        %cond3A_98 = arith.cmpi ne, %convert_element_type3A_96, %cond3A_97 : i32
        scf.if %cond3A_98 {
          tpu.enqueue_dma source(%arg3 : memref<16x128xf32, #tpu.memory_space<hbm>>) target(%arg5 : memref<16x128xf32, #tpu.memory_space<vmem>>) target_semaphore(%arg9 : memref<!tpu.dma_semaphore, #tpu.memory_space<semaphore_mem>>)
        } else {
        }
      } else {
      }
      %mul3A_54 = arith.constant 2 : i32
      %mul3A_55 = arith.muli %mul3A_54, %scan3A_44 : i32
      %add3A_56 = arith.constant 1 : i32
      %add3A_57 = arith.addi %mul3A_55, %add3A_56 : i32
      %add3A_58 = arith.addi %mul3A_2, %add3A_57 : i32
      %lt3A_59 = arith.constant 245 : i32
      %lt3A_60 = arith.cmpi slt, %add3A_57, %lt3A_59 : i32
      %le3A_61 = arith.constant 7812 : i32
      %le3A_62 = arith.cmpi sle, %add3A_58, %le3A_61 : i32
      %and3A_63 = arith.andi %lt3A_60, %le3A_62 : i1
      %convert_element_type3A_64 = arith.extui %and3A_63 : i1 to i32
      %cond3A_65 = arith.constant 0 : i32
      %cond3A_66 = arith.cmpi ne, %convert_element_type3A_64, %cond3A_65 : i32
      scf.if %cond3A_66 {
        tpu.wait_dma2 semaphore(%arg10 : memref<!tpu.dma_semaphore, #tpu.memory_space<semaphore_mem>>) src(%arg3 : memref<16x128xf32, #tpu.memory_space<hbm>>) dst(%arg6 : memref<16x128xf32, #tpu.memory_space<vmem>>)
        %ge3A = arith.constant 1 : i32
        %ge3A_67 = arith.cmpi sge, %scan3A_44, %ge3A : i32
        %convert_element_type3A_68 = arith.extui %ge3A_67 : i1 to i32
        %cond3A_69 = arith.constant 0 : i32
        %cond3A_70 = arith.cmpi ne, %convert_element_type3A_68, %cond3A_69 : i32
        scf.if %cond3A_70 {
          %dma_wait3A_99 = arith.constant 0 : i32
          %dma_wait3A_100 = tpu.memref_slice %arg4[%dma_wait3A_99] : memref<16000192xf32, #tpu.memory_space<hbm>> -> memref<2048xf32, #tpu.memory_space<hbm>>
          %dma_wait3A_101 = arith.constant 0 : i32
          %dma_wait3A_102 = tpu.memref_slice %arg4[%dma_wait3A_101] : memref<16000192xf32, #tpu.memory_space<hbm>> -> memref<2048xf32, #tpu.memory_space<hbm>>
          tpu.wait_dma2 semaphore(%arg12 : memref<!tpu.dma_semaphore, #tpu.memory_space<semaphore_mem>>) src(%dma_wait3A_102 : memref<2048xf32, #tpu.memory_space<hbm>>) dst(%arg8 : memref<2048xf32, #tpu.memory_space<vmem>>)
        } else {
        }
        %scan3A_71 = arith.constant 0 : i32
        %scan3A_72 = arith.constant 0 : i32
        %scan3A_73 = arith.constant 128 : i32
        %scan3A_74 = arith.addi %scan3A_72, %scan3A_73 : i32
        %scan3A_75 = arith.constant 1 : i32
        scf.for %scan3A_99 = %scan3A_72 to %scan3A_74 step %scan3A_75  : i32 {
          %broadcast_in_dim3A = vector.broadcast %scan3A_99 : i32 to vector<16xi32>
          %gather3A = tpu.vector_load_idx %arg6[%iota3A, %broadcast_in_dim3A] : memref<16x128xf32, #tpu.memory_space<vmem>>[vector<16xi32>, vector<16xi32>], vector<16xf32>,
          %mul3A_100 = arith.constant 16 : i32
          %mul3A_101 = arith.muli %scan3A_99, %mul3A_100 : i32
          %swap3A = arith.index_cast %mul3A_101 : i32 to index
          %swap3A_102 = tpu.vector_load %arg8[%swap3A] {strides = array<i32>} : memref<2048xf32, #tpu.memory_space<vmem>>, vector<16xf32>,
          tpu.vector_store %arg8[%swap3A], %gather3A {strides = array<i32>} : memref<2048xf32, #tpu.memory_space<vmem>>, vector<16xf32>,
        }
        %scan3A_76 = arith.constant 128 : i32
        %lt3A_77 = arith.constant 7812 : i32
        %lt3A_78 = arith.cmpi slt, %add3A_58, %lt3A_77 : i32
        %convert_element_type3A_79 = arith.extui %lt3A_78 : i1 to i32
        %cond3A_80 = arith.constant 0 : i32
        %cond3A_81 = arith.cmpi ne, %convert_element_type3A_79, %cond3A_80 : i32
        scf.if %cond3A_81 {
          %mul3A_99 = arith.constant 2048 : i32
          %mul3A_100 = arith.muli %add3A_58, %mul3A_99 : i32
          %dma_start3A = tpu.memref_slice %arg4[%mul3A_100] : memref<16000192xf32, #tpu.memory_space<hbm>> -> memref<2048xf32, #tpu.memory_space<hbm>>
          %dma_start3A_101 = tpu.memref_slice %arg4[%mul3A_100] : memref<16000192xf32, #tpu.memory_space<hbm>> -> memref<2048xf32, #tpu.memory_space<hbm>>
          tpu.enqueue_dma source(%arg8 : memref<2048xf32, #tpu.memory_space<vmem>>) target(%dma_start3A_101 : memref<2048xf32, #tpu.memory_space<hbm>>) target_semaphore(%arg12 : memref<!tpu.dma_semaphore, #tpu.memory_space<semaphore_mem>>)
        } else {
        }
        %eq3A_82 = arith.constant 7812 : i32
        %eq3A_83 = arith.cmpi eq, %add3A_58, %eq3A_82 : i32
        %convert_element_type3A_84 = arith.extui %eq3A_83 : i1 to i32
        %cond3A_85 = arith.constant 0 : i32
        %cond3A_86 = arith.cmpi ne, %convert_element_type3A_84, %cond3A_85 : i32
        scf.if %cond3A_86 {
          %dma_start3A = arith.constant 0 : i32
          %dma_start3A_99 = tpu.memref_slice %arg8[%dma_start3A] : memref<2048xf32, #tpu.memory_space<vmem>> -> memref<1216xf32, #tpu.memory_space<vmem>>
          %dma_start3A_100 = arith.constant 15998976 : i32
          %dma_start3A_101 = tpu.memref_slice %arg4[%dma_start3A_100] : memref<16000192xf32, #tpu.memory_space<hbm>> -> memref<1216xf32, #tpu.memory_space<hbm>>
          %dma_start3A_102 = arith.constant 15998976 : i32
          %dma_start3A_103 = tpu.memref_slice %arg4[%dma_start3A_102] : memref<16000192xf32, #tpu.memory_space<hbm>> -> memref<1216xf32, #tpu.memory_space<hbm>>
          %dma_start3A_104 = arith.constant 0 : i32
          %dma_start3A_105 = tpu.memref_slice %arg8[%dma_start3A_104] : memref<2048xf32, #tpu.memory_space<vmem>> -> memref<1216xf32, #tpu.memory_space<vmem>>
          tpu.enqueue_dma source(%dma_start3A_105 : memref<1216xf32, #tpu.memory_space<vmem>>) target(%dma_start3A_103 : memref<1216xf32, #tpu.memory_space<hbm>>) target_semaphore(%arg12 : memref<!tpu.dma_semaphore, #tpu.memory_space<semaphore_mem>>)
        } else {
        }
        %add3A_87 = arith.constant 2 : i32
        %add3A_88 = arith.addi %add3A_58, %add3A_87 : i32
        %lt3A_89 = arith.constant 7812 : i32
        %lt3A_90 = arith.cmpi slt, %add3A_88, %lt3A_89 : i32
        %convert_element_type3A_91 = arith.extui %lt3A_90 : i1 to i32
        %cond3A_92 = arith.constant 0 : i32
        %cond3A_93 = arith.cmpi ne, %convert_element_type3A_91, %cond3A_92 : i32
        scf.if %cond3A_93 {
          %mul3A_99 = arith.constant 128 : i32
          %mul3A_100 = arith.muli %add3A_88, %mul3A_99 : i32
          %dma_start3A = arith.constant 0 : i32
          %dma_start3A_101 = tpu.memref_slice %arg2[%dma_start3A, %mul3A_100] : memref<16x1000012xf32, #tpu.memory_space<hbm>> -> memref<16x128xf32, #tpu.memory_space<hbm>>
          %dma_start3A_102 = arith.constant 0 : i32
          %dma_start3A_103 = tpu.memref_slice %arg2[%dma_start3A_102, %mul3A_100] : memref<16x1000012xf32, #tpu.memory_space<hbm>> -> memref<16x128xf32, #tpu.memory_space<hbm>>
          tpu.enqueue_dma source(%dma_start3A_103 : memref<16x128xf32, #tpu.memory_space<hbm>>) target(%arg6 : memref<16x128xf32, #tpu.memory_space<vmem>>) target_semaphore(%arg10 : memref<!tpu.dma_semaphore, #tpu.memory_space<semaphore_mem>>)
        } else {
        }
        %eq3A_94 = arith.constant 7812 : i32
        %eq3A_95 = arith.cmpi eq, %add3A_88, %eq3A_94 : i32
        %convert_element_type3A_96 = arith.extui %eq3A_95 : i1 to i32
        %cond3A_97 = arith.constant 0 : i32
        %cond3A_98 = arith.cmpi ne, %convert_element_type3A_96, %cond3A_97 : i32
        scf.if %cond3A_98 {
          tpu.enqueue_dma source(%arg3 : memref<16x128xf32, #tpu.memory_space<hbm>>) target(%arg6 : memref<16x128xf32, #tpu.memory_space<vmem>>) target_semaphore(%arg10 : memref<!tpu.dma_semaphore, #tpu.memory_space<semaphore_mem>>)
        } else {
        }
      } else {
      }
    }
    %scan3A_25 = arith.constant 123 : i32
    %lt3A_26 = arith.constant 31 : i32
    %lt3A_27 = arith.cmpi slt, %add3A, %lt3A_26 : i32
    %convert_element_type3A_28 = arith.extui %lt3A_27 : i1 to i32
    %cond3A_29 = arith.constant 0 : i32
    %cond3A_30 = arith.cmpi ne, %convert_element_type3A_28, %cond3A_29 : i32
    scf.if %cond3A_30 {
      tpu.wait_dma2 semaphore(%arg9 : memref<!tpu.dma_semaphore, #tpu.memory_space<semaphore_mem>>) src(%arg3 : memref<16x128xf32, #tpu.memory_space<hbm>>) dst(%arg5 : memref<16x128xf32, #tpu.memory_space<vmem>>)
      tpu.wait_dma2 semaphore(%arg10 : memref<!tpu.dma_semaphore, #tpu.memory_space<semaphore_mem>>) src(%arg3 : memref<16x128xf32, #tpu.memory_space<hbm>>) dst(%arg6 : memref<16x128xf32, #tpu.memory_space<vmem>>)
    } else {
    }
    %dma_wait3A = arith.constant 0 : i32
    %dma_wait3A_31 = tpu.memref_slice %arg4[%dma_wait3A] : memref<16000192xf32, #tpu.memory_space<hbm>> -> memref<2048xf32, #tpu.memory_space<hbm>>
    %dma_wait3A_32 = arith.constant 0 : i32
    %dma_wait3A_33 = tpu.memref_slice %arg4[%dma_wait3A_32] : memref<16000192xf32, #tpu.memory_space<hbm>> -> memref<2048xf32, #tpu.memory_space<hbm>>
    tpu.wait_dma2 semaphore(%arg11 : memref<!tpu.dma_semaphore, #tpu.memory_space<semaphore_mem>>) src(%dma_wait3A_33 : memref<2048xf32, #tpu.memory_space<hbm>>) dst(%arg7 : memref<2048xf32, #tpu.memory_space<vmem>>)
    %lt3A_34 = arith.constant 31 : i32
    %lt3A_35 = arith.cmpi slt, %add3A, %lt3A_34 : i32
    %convert_element_type3A_36 = arith.extui %lt3A_35 : i1 to i32
    %cond3A_37 = arith.constant 0 : i32
    %cond3A_38 = arith.cmpi ne, %convert_element_type3A_36, %cond3A_37 : i32
    scf.if %cond3A_38 {
      %dma_wait3A_44 = arith.constant 0 : i32
      %dma_wait3A_45 = tpu.memref_slice %arg4[%dma_wait3A_44] : memref<16000192xf32, #tpu.memory_space<hbm>> -> memref<2048xf32, #tpu.memory_space<hbm>>
      %dma_wait3A_46 = arith.constant 0 : i32
      %dma_wait3A_47 = tpu.memref_slice %arg4[%dma_wait3A_46] : memref<16000192xf32, #tpu.memory_space<hbm>> -> memref<2048xf32, #tpu.memory_space<hbm>>
      tpu.wait_dma2 semaphore(%arg12 : memref<!tpu.dma_semaphore, #tpu.memory_space<semaphore_mem>>) src(%dma_wait3A_47 : memref<2048xf32, #tpu.memory_space<hbm>>) dst(%arg8 : memref<2048xf32, #tpu.memory_space<vmem>>)
    } else {
    }
    %eq3A_39 = arith.constant 31 : i32
    %eq3A_40 = arith.cmpi eq, %add3A, %eq3A_39 : i32
    %convert_element_type3A_41 = arith.extui %eq3A_40 : i1 to i32
    %cond3A_42 = arith.constant 0 : i32
    %cond3A_43 = arith.cmpi ne, %convert_element_type3A_41, %cond3A_42 : i32
    scf.if %cond3A_43 {
      %dma_wait3A_44 = arith.constant 0 : i32
      %dma_wait3A_45 = tpu.memref_slice %arg8[%dma_wait3A_44] : memref<2048xf32, #tpu.memory_space<vmem>> -> memref<1216xf32, #tpu.memory_space<vmem>>
      %dma_wait3A_46 = arith.constant 0 : i32
      %dma_wait3A_47 = tpu.memref_slice %arg4[%dma_wait3A_46] : memref<16000192xf32, #tpu.memory_space<hbm>> -> memref<1216xf32, #tpu.memory_space<hbm>>
      %dma_wait3A_48 = arith.constant 0 : i32
      %dma_wait3A_49 = tpu.memref_slice %arg8[%dma_wait3A_48] : memref<2048xf32, #tpu.memory_space<vmem>> -> memref<1216xf32, #tpu.memory_space<vmem>>
      %dma_wait3A_50 = arith.constant 0 : i32
      %dma_wait3A_51 = tpu.memref_slice %arg4[%dma_wait3A_50] : memref<16000192xf32, #tpu.memory_space<hbm>> -> memref<1216xf32, #tpu.memory_space<hbm>>
      tpu.wait_dma2 semaphore(%arg12 : memref<!tpu.dma_semaphore, #tpu.memory_space<semaphore_mem>>) src(%dma_wait3A_51 : memref<1216xf32, #tpu.memory_space<hbm>>) dst(%dma_wait3A_49 : memref<1216xf32, #tpu.memory_space<vmem>>)
    } else {
    }
    return
  }
}

</mosaic_0001>

<sc_bundles>
// kernel: kernel.4.cloned.1.call-start
scs
__scs_entry_jumppad:
0x0: {  	(pc) =	sbr.rel $0x88, $3  }
0x1: {  	(tag) =	ssettag $0x0;
	lr =	simm.s32 $0x1  }
0x2: {  	[smem:$0x3F9E] =	sst lr;
	_ =	strace $0xD0000000  }
0x3: {  	_ = 	snop  }
0x4: {  	_ = 	snop  }
0x5: {  	_ = 	snop  }
0x6: {  	_ = 	snop  }
0x7: {  	_ = 	snop  }
__scs_overlays_trampoline_lowered:
0x8: {  	[smem:$0x3FAD] =	sst s0  }
0x9: {  	[smem:$0x3FAE] =	sst s1  }
0xa: {  	[smem:$0x3FAF] =	sst s2  }
0xb: {  	[smem:$0x3FB0] =	sst s3  }
0xc: {  	[smem:$0x3FB1] =	sst s4  }
0xd: {  	[smem:$0x3FB2] =	sst s5  }
0xe: {  	[smem:$0x3FB3] =	sst s6  }
0xf: {  	[smem:$0x3FB4] =	sst s7  }
0x10: {  	[smem:$0x3FB5] =	sst s8  }
0x11: {  	[smem:$0x3FB6] =	sst s9;
	s0 =	simm.s32 @!p0 $0x0  }
0x12: {  	s1 =	sld [smem:$0x3F9C];
	s0 =	simm.s32 @p0 $0x1  }
0x13: {  	[smem:$0x3FB7] =	sst s0;
	s0 =	simm.s32 @!p1 $0x0  }
0x14: {  	s2 =	sld [smem:$0x3F9B];
	s0 =	simm.s32 @p1 $0x1  }
0x15: {  	[smem:$0x3FB8] =	sst s0;
	s0 =	simm.s32 @!p2 $0x0  }
0x16: {  	s3 =	sld [smem:$0x3FDB];
	s0 =	simm.s32 @p2 $0x1  }
0x17: {  	s4 =	simm.s32 $0x1BF5;
	[smem:$0x3FBA] =	sst s0  }
0x18: {  	s0 =	sld [smem:$0x3F9D];
	_ =	swait.ge [sflag:s4], $0x0  }
0x19: {  	s7 =	sld [smem:$0x3F9E]  }
0x1a: {  	s8 =	sadd.s32 $0xFFFFE003, lr  }
0x1b: {  	s9 =	sadd.s32 $0xFFFFFEF7, lr;
	s5 =	simm.s32 $0xFFFFFFFF;
	p2 =	slt.u32 s8, $0xFFFFF086  }
0x1c: {  	p1 =	slt.u32 s9, $0xF7A;
	s5 =	simm.s32 @!p2 $0x0  }
0x1d: {  	s5 =	simm.s32 @p1 $0x1;
	p0 =	seq.s32 s7, s2  }
0x1e: {  	s7 =	smul.u32 @!p0 $0xF7A, s2;
	p2 =	seq.s32 @!p0 s5, $0x0  }
0x1f: {  	s9 =	smul.u32 $0xF7A, s1;
	s8 =	simm.s32 @!p0 $0x1BF5;
	p2 =	por !p2, p0  }
0x20: {  	[sflag:s8] =	ssyncset.s32 @!p0 $0xFFFFF086;
	s6 =	sadd.s32 @!p0 s3, s7;
	s7 =	simm.s32 @!p0 $0x108  }
0x21: {  	s3 =	sadd.s32 s3, s9;
	s6 =	sadd.s32 @!p0 $0x88, s6;
	s7 =	simm.s32 @p2 $0x1082  }
0x22: {  	[simem:s7], [sflag:s8] =	dma.local @!p0 [hbm:s6], $0xF7A  }
0x23: {  	s9 =	sor.u32 $0xD0000000, s2;
	s6 =	simm.s32 $0x108;
	_ =	swait.ge @!p0 [sflag:s8], $0x0  }
0x24: {  	s3 =	sadd.s32 $0x88, s3;
	s6 =	simm.s32 @!p1 $0x1082;
	[sflag:s4] =	ssyncset.s32 $0xFFFFF086  }
0x25: {  	[simem:s6], [sflag:s4] =	dma.local [hbm:s3], $0xF7A  }
0x26: {  	[smem:$0x3F9E] =	sst s1;
	(tag) =	ssettag s2;
	_ =	strace s9  }
0x27: {  	s1 =	sld [smem:$0x3FAE]  }
0x28: {  	s2 =	sld [smem:$0x3FAF]  }
0x29: {  	s4 =	sld [smem:$0x3FB1]  }
0x2a: {  	p0 =	seq.s32 s5, $0x0;
	s5 =	sld [smem:$0x3FB2]  }
0x2b: {  	s6 =	sld [smem:$0x3FB3]  }
0x2c: {  	s7 =	sld [smem:$0x3FB4]  }
0x2d: {  	s3 =	simm.s32 $0x108;
	s8 =	sld [smem:$0x3FB5]  }
0x2e: {  	s3 =	simm.s32 @!p0 $0x1082;
	s9 =	sld [smem:$0x3FB6]  }
0x2f: {  	lr =	sadd.s32 s0, s3;
	s0 =	sld [smem:$0x3FAD]  }
0x30: {  	s3 =	sld [smem:$0x3FB0]  }
0x31: {  	[smem:$0x3FB9] =	sst s10  }
0x32: {  	s10 =	sld [smem:$0x3FB7];
	_ =	sdelay $0x3  }
0x33: {  	p0 =	seq.s32 s10, $0x1;
	s10 =	sld [smem:$0x3FB9];
	_ =	sdelay $0x3  }
0x34: {  	[smem:$0x3FB9] =	sst s10  }
0x35: {  	s10 =	sld [smem:$0x3FB8];
	_ =	sdelay $0x3  }
0x36: {  	p1 =	seq.s32 s10, $0x1;
	s10 =	sld [smem:$0x3FB9];
	_ =	sdelay $0x3  }
0x37: {  	[smem:$0x3FB9] =	sst s10  }
0x38: {  	s10 =	sld [smem:$0x3FBA]  }
0x39: {  	_ = 	snop;
	(pc) =	sbr.ind lr, $3  }
0x3a: {  	_ = 	snop  }
0x3b: {  	_ = 	snop  }
0x3c: {  	p2 =	seq.s32 s10, $0x1;
	s10 =	sld [smem:$0x3FB9]  }
0x3d: {  	_ =	shalt  }
0x3e: {  	_ =	shalt  }
0x3f: {  	_ =	shalt  }
0x40: {  	_ =	shalt  }
0x41: {  	_ =	shalt  }
0x42: {  	_ =	shalt  }
0x43: {  	_ =	shalt  }
0x44: {  	_ =	shalt  }
0x45: {  	_ =	shalt  }
0x46: {  	_ =	shalt  }
0x47: {  	_ =	shalt  }
0x48: {  	_ =	shalt  }
0x49: {  	_ =	shalt  }
0x4a: {  	_ =	shalt  }
0x4b: {  	_ =	shalt  }
0x4c: {  	_ =	shalt  }
0x4d: {  	_ =	shalt  }
0x4e: {  	_ =	shalt  }
0x4f: {  	_ =	shalt  }
0x50: {  	_ =	shalt  }
0x51: {  	_ =	shalt  }
0x52: {  	_ =	shalt  }
0x53: {  	_ =	shalt  }
0x54: {  	_ =	shalt  }
0x55: {  	_ =	shalt  }
0x56: {  	_ =	shalt  }
0x57: {  	_ =	shalt  }
0x58: {  	_ =	shalt  }
0x59: {  	_ =	shalt  }
0x5a: {  	_ =	shalt  }
0x5b: {  	_ =	shalt  }
0x5c: {  	_ =	shalt  }
0x5d: {  	_ =	shalt  }
0x5e: {  	_ =	shalt  }
0x5f: {  	_ =	shalt  }
0x60: {  	_ =	shalt  }
0x61: {  	_ =	shalt  }
0x62: {  	_ =	shalt  }
0x63: {  	_ =	shalt  }
0x64: {  	_ =	shalt  }
0x65: {  	_ =	shalt  }
0x66: {  	_ =	shalt  }
0x67: {  	_ =	shalt  }
0x68: {  	_ =	shalt  }
0x69: {  	_ =	shalt  }
0x6a: {  	_ =	shalt  }
0x6b: {  	_ =	shalt  }
0x6c: {  	_ =	shalt  }
0x6d: {  	_ =	shalt  }
0x6e: {  	_ =	shalt  }
0x6f: {  	_ =	shalt  }
0x70: {  	_ =	shalt  }
0x71: {  	_ =	shalt  }
0x72: {  	_ =	shalt  }
0x73: {  	_ =	shalt  }
0x74: {  	_ =	shalt  }
0x75: {  	_ =	shalt  }
0x76: {  	_ =	shalt  }
0x77: {  	_ =	shalt  }
0x78: {  	_ =	shalt  }
0x79: {  	_ =	shalt  }
0x7a: {  	_ =	shalt  }
0x7b: {  	_ =	shalt  }
0x7c: {  	_ =	shalt  }
0x7d: {  	_ =	shalt  }
0x7e: {  	_ =	shalt  }
0x7f: {  	_ =	shalt  }
0x80: {  	_ =	shalt  }
0x81: {  	_ =	shalt  }
0x82: {  	_ =	shalt  }
0x83: {  	_ =	shalt  }
0x84: {  	_ =	shalt  }
0x85: {  	_ =	shalt  }
0x86: {  	_ =	shalt  }
0x87: {  	_ =	shalt  }
.Lfunc_end0:
.L_simem_size_0:
called_computation_lowered:
.L_overlay_start_0:
0x88: {  	s2 =	sld [smem:$0x3FD9]  }
0x89: {  	s3 =	sld [smem:$0x3FFE];
	_ =	sdelay $0x1  }
0x8a: {  	s1 =	srdreg.scid  }
0x8b: {  	s0 =	sand.u32 $0x1, s1  }
0x8c: {  	s17 =	sshll.u32 s0, $0xA;
	s2 =	sadd.s32 s3, s2  }
0x8d: {  	s2 =	sadd.s32 s2, s17  }
0x8e: {  	[smem:$0x3FC5] =	sst s2  }
0x8f: {  	_ = 	snop  }
0x90: {  	s2 =	sld [smem:$0x3FC8];
	(tm) =	ssettm $0x1  }
0x91: {  	s18 =	sld [smem:$0x3FFB];
	_ =	sdelay $0x3  }
0x92: {  	_ =	strace s18  }
0x93: {  	s3 =	sld [smem:$0x3FFC];
	_ =	sdelay $0x3  }
0x94: {  	_ =	strace s3  }
0x95: {  	s3 =	sld [smem:$0x3FFD];
	_ =	sdelay $0x3  }
0x96: {  	_ =	strace s3  }
0x97: {  	_ =	strace $0x8FFFFFFF  }
0x98: {  	s19 =	sld [smem:$0x3FDB];
	_ =	sdelay $0x1  }
0x99: {  	s4 =	simm.s32 $_scs_section_size  }
0x9a: {  	s5 =	simm.s32 $_size__tile_overlayer_lowered;
	s6 =	simm.s32 $_tile_overlayer_lowered  }
0x9b: {  	s22 =	simm.s32 $0x1BFF;
	s21 =	sshll.u32 s6, $0x1;
	s3 =	sadd.s32 s4, s19  }
0x9c: {  	s7 =	simm.s32 $0x0;
	s20 =	sshll.u32 s5, $0x1;
	s5 =	sadd.s32 s21, s3  }
0x9d: {  	[timem:s7], [sflag:s22] =	dma.local [hbm:s5], s20  }
0x9e: {  	_ =	swait.ge [sflag:s22], s20  }
0x9f: {  	s4 =	ssub.s32 $0x0, s20;
	[sflag:s22] =	ssyncset.done $0x0  }
0xa0: {  	[sflag:s22] =	ssyncadd.s32 s4;
	_ =	sdelay $0x1  }
0xa1: {  	s23 =	simm.s32 $0x1B8B  }
0xa2: {  	_ =	swait.ge [sflag:s23], $0x1  }
0xa3: {  	[sflag:s23] =	ssyncset.done $0x0  }
0xa4: {  	s25 =	simm.s32 $0x1B8E;
	s24 =	sld [smem:$0x3FFE];
	[sflag:s23] =	ssyncadd.s32 $0xFFFFFFFF  }
0xa5: {  	s26 =	simm.s32 $execute0_lowered;
	[smem:$0x3FD2] =	sst s25  }
0xa6: {  	s5 =	sshll.u32 s26, $0x1;
	_ =	strace $0x80000046;
	[dreg:$0x1] =	wrdreg $0xFFFFFFFF  }
0xa7: {  	s28 =	simm.s32 $_size_execute0_lowered;
	s3 =	sadd.s32 s3, s5;
	[dreg:$0x0] =	wrdreg $0x0  }
0xa8: {  	s5 =	sshll.u32 s28, $0x1;
	[dreg:$0x2] =	wrdreg s3  }
0xa9: {  	[dreg:$0x3] =	wrdreg s5  }
0xaa: {  	[dreg:$0x4] =	wrdreg $0xC0  }
0xab: {  	_ =	task [dreg:s7], $0x5FFFF  }
0xac: {  	[dreg:$0x1] =	wrdreg $0xFFFFFFFF  }
0xad: {  	[dreg:$0x0] =	wrdreg $0x60  }
0xae: {  	[dreg:$0x2] =	wrdreg s2  }
0xaf: {  	[dreg:$0x3] =	wrdreg s24  }
0xb0: {  	[dreg:$0x4] =	wrdreg $0x9  }
0xb1: {  	_ =	task.clear_ibuf [dreg:s7], $0x5FFFF;
	_ =	strace $0x90000046  }
0xb2: {  	s29 =	simm.s32 $0x9;
	_ =	strace $0x80000048  }
0xb3: {  	_ =	swait.ge [sflag:s29], $0x1  }
0xb4: {  	[sflag:s29] =	ssyncadd.s32 $0xFFFFFFFF  }
0xb5: {  	_ =	strace $0x90000048  }
0xb6: {  	_ =	sfence  }
0xb7: {  	s30 =	sld [smem:$0x0];
	_ =	sdelay $0x2  }
0xb8: {  	s31 =	sshll.u32 s1, $0xD;
	s1 =	sshrl.u32 s1, $0x2  }
0xb9: {  	s3 =	sand.u32 $0x4000, s31;
	s1 =	sadd.s32 s1, s30  }
0xba: {  	s0 =	sor.u32 s3, s0;
	s1 =	sshll.u32 s1, $0x11  }
0xbb: {  	s0 =	sor.u32 s1, s0  }
0xbc: {  	s0 =	sadd.s32 $0x8F2B, s0  }
0xbd: {  	[sflag:s0] =	ssyncadd.remote.s32 $0x1  }
0xbe: {  	_ =	sfence.sel $0xFFFF  }
0xbf: {  	[dreg:$0x0] =	wrdreg $0xFFFFFFFF;
	(pc) =	sbr.abs _section_cstart, $3  }
0xc0: {  	[dreg:$0x1] =	wrdreg $0xFFFFFFFF  }
0xc1: {  	_ =	task.clear_ibuf [dreg:s7], $0x2FFFF;
	_ =	strace $0x9FFFFFFF  }
0xc2: {  	(tm) =	ssettm $0x7FFFFFFF  }
0xc3: {  	_ =	shalt  }
tec
execute0_lowered:
.L_overlay_start_1:
0x0: {  	(tag) =	ssettag $0x1  }
0x1: {  	s2 =	rddreg [dreg:$0x0]  }
0x2: {  	s1 =	srdreg.scid;
	s0 =	stileid.u32  }
0x3: {  	s9 =	rddreg [dreg:$0x1];
	s3 =	simm.s32 $0x0;
	s11 =	simm.s32 $0x400  }
0x4: {  	s12 =	simm.s32 $0x7A1400;
	s13 =	simm.s32 $0x800;
	s14 =	simm.s32 $0x1  }
0x5: {  	s5 =	sand.u32 $0x1, s1;
	s4 =	sshll.u32 s0, $0x1;
	s1 =	rddreg [dreg:$0x2]  }
0x6: {  	s15 =	simm.s32 $0x2;
	[smem:$0x7FF] =	sst s3;
	s16 =	sor.u32 s5, s4  }
.Ltmp0:
0x7: {  	_ =	strace $0x80000047;
	s4 =	sadd.s32 $0xC00, s9;
	(pc) =	sbr.rel .LBB2_1-.Ltmp0, $4  }
0x8: {  	s7 =	ssub.s32 $0x2, s5;
	s5 =	sadd.s32 $0xE00, s9;
	s6 =	smul.u32 $0x7A80, s16  }
0x9: {  	s9 =	sadd.s32 $0x1E9200, s9;
	s8 =	sshrl.u32 s7, $0x1;
	p0 =	seq.s32 s16, $0x1F  }
0xa: {  	v0 =	vlaneseq.u32;
	s10 =	ssub.s32 s7, s8;
	s7 =	smul.u32 $0xF5, s16;
	s6 =	sadd.s32 s2, s6  }
0xb: {  	v0 =	vmul.u32 $0x80, v0;
	s16 =	simm.s32 $0x0;
	s10 =	smax.u32 s10, $0x1;
	s8 =	sadd.s32 $0x80, s6  }
.LBB2_11:
0xc: {  	s17 =	simm.s32 @p0 $0x3  }
0xd: {  	_ =	swait.ge @p0 [sflag:s17], $0x800  }
0xe: {  	[sflag:s17] =	ssyncset.done @p0 $0x0  }
0xf: {  	[sflag:s17] =	ssyncadd.s32 @p0 $0xFFFFF800;
	s17 =	simm.s32 @p0 $0x4  }
0x10: {  	_ =	swait.ge @p0 [sflag:s17], $0x4C0  }
0x11: {  	[sflag:s17] =	ssyncset.done @p0 $0x0  }
0x12: {  	[sflag:s17] =	ssyncadd.s32 @p0 $0xFFFFFB40;
	s17 =	simm.s32 @!p0 $0x1  }
0x13: {  	_ =	swait.ge @!p0 [sflag:s17], $0x800  }
0x14: {  	[sflag:s17] =	ssyncset.done @!p0 $0x0  }
0x15: {  	[sflag:s17] =	ssyncadd.s32 @!p0 $0xFFFFF800;
	s17 =	simm.s32 @!p0 $0x2  }
0x16: {  	_ =	swait.ge @!p0 [sflag:s17], $0x800  }
0x17: {  	[sflag:s17] =	ssyncset.done @!p0 $0x0  }
0x18: {  	s16 =	sadd.s32 $0x1, s16;
	[sflag:s17] =	ssyncadd.s32 @!p0 $0xFFFFF800;
	s17 =	simm.s32 @!p0 $0x3  }
0x19: {  	p1 =	sne.s32 s16, s10;
	_ =	swait.ge @!p0 [sflag:s17], $0x800  }
.Ltmp1:
0x1a: {  	[sflag:s17] =	ssyncset.done @!p0 $0x0;
	(pc) =	sbr.rel @!p1 .LBB2_12-.Ltmp1, $4  }
0x1b: {  	[sflag:s17] =	ssyncadd.s32 @!p0 $0xFFFFF800;
	s17 =	simm.s32 @!p0 $0x4  }
0x1c: {  	_ =	swait.ge @!p0 [sflag:s17], $0x800  }
0x1d: {  	[sflag:s17] =	ssyncset.done @!p0 $0x0  }
0x1e: {  	[sflag:s17] =	ssyncadd.s32 @!p0 $0xFFFFF800  }
.LBB2_1:
.Ltmp2:
0x1f: {  	(pc) =	sbr.rel .LBB2_2-.Ltmp2, $4  }
0x20: {  	_ = 	snop  }
0x21: {  	[tilespmem:s3], [sflag:$0x1] =	stream.strided.gather [hbm4b:s6+s11], $0x800, s12, s11, $0x38;
	[tilespmem:$0x2000] =	vst v63  }
0x22: {  	s17 =	simm.s32 $0x0  }
0x23: {  	[tilespmem:s13], [sflag:$0x2] =	stream.strided.gather [hbm4b:s8+s11], $0x800, s12, s11, $0x38;
	[tilespmem:$0x2000] =	vst v63  }
.LBB2_10:
0x24: {  	s17 =	sadd.s32 $0x1, s17  }
0x25: {  	p1 =	sne.s32 s17, $0x7B  }
.Ltmp3:
0x26: {  	_ = 	snop;
	(pc) =	sbr.rel @!p1 .LBB2_11-.Ltmp3, $1  }
0x27: {  	_ =	sdelay $0x3  }
.LBB2_2:
0x28: {  	s18 =	sshll.u32 s17, $0x1  }
0x29: {  	s19 =	sadd.s32 s7, s18  }
0x2a: {  	p2 =	sgt.u32 s19, $0x1E84  }
.Ltmp4:
0x2b: {  	_ = 	snop;
	(pc) =	sbr.rel @p2 .LBB2_6-.Ltmp4, $2  }
0x2c: {  	_ =	sdelay $0x2  }
0x2d: {  	p1 =	seq.s32 s17, $0x0  }
0x2e: {  	s20 =	simm.s32 $0x0  }
0x2f: {  	v1 =	vmov s20  }
0x30: {  	v1 =	vand.u32 $0x7F, v1  }
0x31: {  	v1 =	vbroadcast v1, $0x0  }
0x32: {  	_ =	swait.ge [sflag:s14], $0x800  }
0x33: {  	[sflag:s14] =	ssyncset.done $0x0;
	v1 =	vor.u32 v0, v1  }
0x34: {  	s30 =	simm.s32 $0x1;
	s21 =	simm.s32 @!p1 $0x3;
	[sflag:s14] =	ssyncadd.s32 $0xFFFFF800  }
0x35: {  	v2 =	vmov s30;
	_ =	swait.ge @!p1 [sflag:s21], $0x800  }
0x36: {  	v2 =	vand.u32 $0x7F, v2;
	[sflag:s21] =	ssyncset.done @!p1 $0x0  }
0x37: {  	v3 =	vbroadcast v2, $0x0;
	[sflag:s21] =	ssyncadd.s32 @!p1 $0xFFFFF800  }
0x38: {  	v2 =	vld.idx.msk [tilespmem:v1+s3+$0x0], $0xffff  }
0x39: {  	v1 =	vor.u32 v0, v3;
	_ =	sdelay $0x1  }
0x3a: {  	s31 =	simm.s32 $0x2  }
0x3b: {  	s20 =	simm.s32 $0x1000;
	s21 =	simm.s32 $0x3;
	v3 =	vmov s31  }
.LBB2_4:
0x3c: {  	p2 =	sne.s32 s21, $0x7F;
	v3 =	vand.u32 $0x7F, v3;
	[tilespmem:s20+$0x0] =	vst v2  }
0x3d: {  	v3 =	vbroadcast v3, $0x0;
	v2 =	vld.idx.msk [tilespmem:v1+s3+$0x0], $0xffff  }
.Ltmp5:
0x3e: {  	(pc) =	sbr.rel @p2 .LBB2_4-.Ltmp5, $2  }
0x3f: {  	v1 =	vor.u32 v0, v3;
	_ =	sdelay $0x2  }
0x40: {  	s20 =	sadd.s32 $0x10, s20;
	v3 =	vmov s21;
	s21 =	sadd.s32 $0x1, s21  }
0x41: {  	_ =	sdelay $0x1  }
0x42: {  	v3 =	vand.u32 $0x7F, v3  }
0x43: {  	[tilespmem:s20+$0x0] =	vst v2;
	v2 =	vbroadcast v3, $0x0  }
0x44: {  	v1 =	vld.idx.msk [tilespmem:v1+s3+$0x0], $0xffff  }
0x45: {  	v2 =	vor.u32 v0, v2;
	_ =	sdelay $0x2  }
0x46: {  	s31 =	sadd.s32 $0x10, s20  }
0x47: {  	p2 =	sne.s32 s19, $0x1E84;
	[tilespmem:s31+$0x0] =	vst v1  }
0x48: {  	p3 =	sgt.u32 @p2 s19, $0x1E81;
	v1 =	vld.idx.msk [tilespmem:v2+s3+$0x0], $0xffff  }
0x49: {  	s21 =	sshll.u32 @p2 s19, $0x8;
	s19 =	sadd.s32 @p2 $0x2, s19;
	p4 =	por !p3, !p2  }
0x4a: {  	p4 =	sne.s32 @!p4 s19, $0x1E84  }
0x4b: {  	s20 =	sadd.s32 $0x10, s31;
	p4 =	por @p2 p4, !p3  }
0x4c: {  	s22 =	simm.s32 @p2 $0x1000;
	p3 =	por p3, !p2;
	p4 =	por p4, !p2  }
0x4d: {  	s19 =	sshll.u32 @!p3 s19, $0x7;
	[tilespmem:s20+$0x0] =	vst v1;
	s20 =	sadd.s32 @p2 s5, s21;
	s21 =	simm.s32 @p2 $0x0  }
0x4e: {  	[hbm4b:s20+s21] =	stream.linear.scatter @p2 [tilespmem:s22], [sflag:$0x3], $0x800, $0x38;
	[tilespmem:$0x2000] =	vst v63  }
0x4f: {  	s19 =	sadd.s32 @!p3 s2, s19;
	s20 =	simm.s32 @!p4 $0x0  }
0x50: {  	[tilespmem:s20], [sflag:$0x1] =	stream.linear.gather @!p4 [hbm4b:s4+s20], $0x800, $0x38;
	[tilespmem:$0x2000] =	vst v63  }
0x51: {  	s21 =	simm.s32 @!p3 $0x7A1400;
	s22 =	simm.s32 @!p3 $0x0;
	s20 =	simm.s32 @!p3 $0x400  }
0x52: {  	[tilespmem:s22], [sflag:$0x1] =	stream.strided.gather @!p3 [hbm4b:s19+s20], $0x800, s21, s20, $0x38;
	[tilespmem:$0x2000] =	vst v63  }
0x53: {  	s19 =	simm.s32 @!p2 $0x0;
	s20 =	simm.s32 @!p2 $0x1000  }
0x54: {  	[hbm4b:s9+s19] =	stream.linear.scatter @!p2 [tilespmem:s20], [sflag:$0x3], $0x4C0, $0x38;
	[tilespmem:$0x2000] =	vst v63  }
.LBB2_6:
0x55: {  	s19 =	sor.u32 $0x1, s18  }
0x56: {  	s18 =	sadd.s32 s7, s19;
	p2 =	sgt.u32 s19, $0xF4  }
0x57: {  	p3 =	sgt.u32 @!p2 s18, $0x1E84  }
0x58: {  	p2 =	por p2, p3  }
.Ltmp6:
0x59: {  	_ = 	snop;
	(pc) =	sbr.rel @p2 .LBB2_10-.Ltmp6, $1  }
0x5a: {  	_ =	sdelay $0x3  }
0x5b: {  	s19 =	simm.s32 $0x0  }
0x5c: {  	v1 =	vmov s19  }
0x5d: {  	v1 =	vand.u32 $0x7F, v1  }
0x5e: {  	v1 =	vbroadcast v1, $0x0  }
0x5f: {  	_ =	swait.ge [sflag:s15], $0x800  }
0x60: {  	[sflag:s15] =	ssyncset.done $0x0;
	v1 =	vor.u32 v0, v1  }
0x61: {  	s30 =	simm.s32 $0x1;
	s20 =	simm.s32 @!p1 $0x4;
	[sflag:s15] =	ssyncadd.s32 $0xFFFFF800  }
0x62: {  	v2 =	vmov s30;
	_ =	swait.ge @!p1 [sflag:s20], $0x800  }
0x63: {  	v2 =	vand.u32 $0x7F, v2;
	[sflag:s20] =	ssyncset.done @!p1 $0x0  }
0x64: {  	v3 =	vbroadcast v2, $0x0;
	[sflag:s20] =	ssyncadd.s32 @!p1 $0xFFFFF800  }
0x65: {  	v2 =	vld.idx.msk [tilespmem:v1+s13+$0x0], $0xffff  }
0x66: {  	v1 =	vor.u32 v0, v3;
	_ =	sdelay $0x1  }
0x67: {  	s31 =	simm.s32 $0x2  }
0x68: {  	s19 =	simm.s32 $0x1800;
	s20 =	simm.s32 $0x3;
	v3 =	vmov s31  }
.LBB2_8:
0x69: {  	p1 =	sne.s32 s20, $0x7F;
	v3 =	vand.u32 $0x7F, v3;
	[tilespmem:s19+$0x0] =	vst v2  }
0x6a: {  	v3 =	vbroadcast v3, $0x0;
	v2 =	vld.idx.msk [tilespmem:v1+s13+$0x0], $0xffff  }
.Ltmp7:
0x6b: {  	(pc) =	sbr.rel @p1 .LBB2_8-.Ltmp7, $2  }
0x6c: {  	v1 =	vor.u32 v0, v3;
	_ =	sdelay $0x2  }
0x6d: {  	s19 =	sadd.s32 $0x10, s19;
	v3 =	vmov s20;
	s20 =	sadd.s32 $0x1, s20  }
0x6e: {  	_ =	sdelay $0x1  }
0x6f: {  	v3 =	vand.u32 $0x7F, v3  }
0x70: {  	[tilespmem:s19+$0x0] =	vst v2;
	v2 =	vbroadcast v3, $0x0  }
0x71: {  	v1 =	vld.idx.msk [tilespmem:v1+s13+$0x0], $0xffff  }
0x72: {  	v2 =	vor.u32 v0, v2;
	_ =	sdelay $0x2  }
0x73: {  	s31 =	sadd.s32 $0x10, s19  }
0x74: {  	[tilespmem:s31+$0x0] =	vst v1  }
0x75: {  	p1 =	slt.u32 s18, $0x1E84;
	v1 =	vld.idx.msk [tilespmem:v2+s13+$0x0], $0xffff  }
0x76: {  	p2 =	sgt.u32 @p1 s18, $0x1E81  }
0x77: {  	s20 =	sshll.u32 @p1 s18, $0x8;
	s18 =	sadd.s32 @p1 $0x2, s18;
	p3 =	por !p2, !p1  }
0x78: {  	s19 =	sadd.s32 $0x10, s31;
	p3 =	sne.s32 @!p3 s18, $0x1E84  }
0x79: {  	s21 =	simm.s32 @p1 $0x1800;
	p3 =	por @p1 p3, !p2;
	p2 =	por p2, !p1  }
0x7a: {  	p3 =	por p3, !p1;
	[tilespmem:s19+$0x0] =	vst v1;
	s19 =	sadd.s32 @p1 s5, s20;
	s20 =	simm.s32 @p1 $0x0  }
0x7b: {  	[hbm4b:s19+s20] =	stream.linear.scatter @p1 [tilespmem:s21], [sflag:$0x4], $0x800, $0x38;
	[tilespmem:$0x2000] =	vst v63  }
0x7c: {  	s18 =	sshll.u32 @!p2 s18, $0x7;
	s19 =	simm.s32 @!p3 $0x0;
	s20 =	simm.s32 @!p3 $0x800  }
0x7d: {  	[tilespmem:s20], [sflag:$0x2] =	stream.linear.gather @!p3 [hbm4b:s4+s19], $0x800, $0x38;
	[tilespmem:$0x2000] =	vst v63  }
.Ltmp8:
0x7e: {  	s18 =	sadd.s32 @!p2 s2, s18;
	(pc) =	sbr.rel .LBB2_10-.Ltmp8, $4  }
0x7f: {  	s21 =	simm.s32 @!p2 $0x800;
	s19 =	simm.s32 @!p2 $0x400;
	s20 =	simm.s32 @!p2 $0x7A1400  }
0x80: {  	[tilespmem:s21], [sflag:$0x2] =	stream.strided.gather @!p2 [hbm4b:s18+s19], $0x800, s20, s19, $0x38;
	[tilespmem:$0x2000] =	vst v63  }
0x81: {  	s18 =	simm.s32 @!p1 $0x0;
	s19 =	simm.s32 @!p1 $0x1800  }
0x82: {  	[hbm4b:s9+s18] =	stream.linear.scatter @!p1 [tilespmem:s19], [sflag:$0x4], $0x4C0, $0x38;
	[tilespmem:$0x2000] =	vst v63  }
.LBB2_12:
0x83: {  	_ =	sfence.sel $0x180000  }
0x84: {  	[bflag:$0x0] =	sbarrier.arrive $0xFFFF  }
0x85: {  	p0 =	sne.s32 s0, $0x0;
	_ =	strace $0x90000047  }
0x86: {  	s0 =	sadd.s32 @!p0 $0x100000, s1;
	[bflag:$0x2] =	sbarrier.arrive $0xFFFF  }
0x87: {  	[sflag:s0] =	ssyncadd.tile.s32 @!p0 $0x1;
	_ =	shalt  }
.Lfunc_end2:
_tile_overlayer_lowered:
.L_overlay_start_2:
0x88: {  	(tag) =	ssettag $0x2  }
0x89: {  	s0 =	rddreg [dreg:$0x0];
	s2 =	stileid.u32  }
0x8a: {  	s1 =	rddreg [dreg:$0x1];
	p0 =	sne.s32 s2, $0x0  }
0x8b: {  	s3 =	rddreg [dreg:$0x2];
	[bflag:$0x3] =	sbarrier.arrive $0xFFFF;
	s2 =	simm.s32 @!p0 $0x1C05  }
0x8c: {  	[timem:s3], [sflag:s2] =	dma.local @!p0 [hbm:s0], s1  }
0x8d: {  	s0 =	simm.s32 @!p0 $0x5  }
0x8e: {  	_ =	swait.ge @!p0 [sflag:s0], s1  }
0x8f: {  	s1 =	ssub.s32 @!p0 $0x0, s1;
	[sflag:s0] =	ssyncset.done @!p0 $0x0  }
0x90: {  	[sflag:s0] =	ssyncadd.s32 @!p0 s1  }
0x91: {  	[bflag:$0x3] =	sbarrier.arrive $0xFFFF  }
0x92: {  	_ =	shalt  }

// kernel: kernel.7.cloned.1.call-start
scs
__scs_entry_jumppad:
0x0: {  	(pc) =	sbr.rel $0x88, $3  }
0x1: {  	(tag) =	ssettag $0x0;
	lr =	simm.s32 $0x1  }
0x2: {  	[smem:$0x3F9E] =	sst lr;
	_ =	strace $0xD0000000  }
0x3: {  	_ = 	snop  }
0x4: {  	_ = 	snop  }
0x5: {  	_ = 	snop  }
0x6: {  	_ = 	snop  }
0x7: {  	_ = 	snop  }
__scs_overlays_trampoline_lowered:
0x8: {  	[smem:$0x3FAD] =	sst s0  }
0x9: {  	[smem:$0x3FAE] =	sst s1  }
0xa: {  	[smem:$0x3FAF] =	sst s2  }
0xb: {  	[smem:$0x3FB0] =	sst s3  }
0xc: {  	[smem:$0x3FB1] =	sst s4  }
0xd: {  	[smem:$0x3FB2] =	sst s5  }
0xe: {  	[smem:$0x3FB3] =	sst s6  }
0xf: {  	[smem:$0x3FB4] =	sst s7  }
0x10: {  	[smem:$0x3FB5] =	sst s8  }
0x11: {  	[smem:$0x3FB6] =	sst s9;
	s0 =	simm.s32 @!p0 $0x0  }
0x12: {  	s1 =	sld [smem:$0x3F9C];
	s0 =	simm.s32 @p0 $0x1  }
0x13: {  	[smem:$0x3FB7] =	sst s0;
	s0 =	simm.s32 @!p1 $0x0  }
0x14: {  	s2 =	sld [smem:$0x3F9B];
	s0 =	simm.s32 @p1 $0x1  }
0x15: {  	[smem:$0x3FB8] =	sst s0;
	s0 =	simm.s32 @!p2 $0x0  }
0x16: {  	s3 =	sld [smem:$0x3FDB];
	s0 =	simm.s32 @p2 $0x1  }
0x17: {  	s4 =	simm.s32 $0x1BF5;
	[smem:$0x3FBA] =	sst s0  }
0x18: {  	s0 =	sld [smem:$0x3F9D];
	_ =	swait.ge [sflag:s4], $0x0  }
0x19: {  	s7 =	sld [smem:$0x3F9E]  }
0x1a: {  	s8 =	sadd.s32 $0xFFFFE003, lr  }
0x1b: {  	s9 =	sadd.s32 $0xFFFFFEF7, lr;
	s5 =	simm.s32 $0xFFFFFFFF;
	p2 =	slt.u32 s8, $0xFFFFF086  }
0x1c: {  	p1 =	slt.u32 s9, $0xF7A;
	s5 =	simm.s32 @!p2 $0x0  }
0x1d: {  	s5 =	simm.s32 @p1 $0x1;
	p0 =	seq.s32 s7, s2  }
0x1e: {  	s7 =	smul.u32 @!p0 $0xF7A, s2;
	p2 =	seq.s32 @!p0 s5, $0x0  }
0x1f: {  	s9 =	smul.u32 $0xF7A, s1;
	s8 =	simm.s32 @!p0 $0x1BF5;
	p2 =	por !p2, p0  }
0x20: {  	[sflag:s8] =	ssyncset.s32 @!p0 $0xFFFFF086;
	s6 =	sadd.s32 @!p0 s3, s7;
	s7 =	simm.s32 @!p0 $0x108  }
0x21: {  	s3 =	sadd.s32 s3, s9;
	s6 =	sadd.s32 @!p0 $0x88, s6;
	s7 =	simm.s32 @p2 $0x1082  }
0x22: {  	[simem:s7], [sflag:s8] =	dma.local @!p0 [hbm:s6], $0xF7A  }
0x23: {  	s9 =	sor.u32 $0xD0000000, s2;
	s6 =	simm.s32 $0x108;
	_ =	swait.ge @!p0 [sflag:s8], $0x0  }
0x24: {  	s3 =	sadd.s32 $0x88, s3;
	s6 =	simm.s32 @!p1 $0x1082;
	[sflag:s4] =	ssyncset.s32 $0xFFFFF086  }
0x25: {  	[simem:s6], [sflag:s4] =	dma.local [hbm:s3], $0xF7A  }
0x26: {  	[smem:$0x3F9E] =	sst s1;
	(tag) =	ssettag s2;
	_ =	strace s9  }
0x27: {  	s1 =	sld [smem:$0x3FAE]  }
0x28: {  	s2 =	sld [smem:$0x3FAF]  }
0x29: {  	s4 =	sld [smem:$0x3FB1]  }
0x2a: {  	p0 =	seq.s32 s5, $0x0;
	s5 =	sld [smem:$0x3FB2]  }
0x2b: {  	s6 =	sld [smem:$0x3FB3]  }
0x2c: {  	s7 =	sld [smem:$0x3FB4]  }
0x2d: {  	s3 =	simm.s32 $0x108;
	s8 =	sld [smem:$0x3FB5]  }
0x2e: {  	s3 =	simm.s32 @!p0 $0x1082;
	s9 =	sld [smem:$0x3FB6]  }
0x2f: {  	lr =	sadd.s32 s0, s3;
	s0 =	sld [smem:$0x3FAD]  }
0x30: {  	s3 =	sld [smem:$0x3FB0]  }
0x31: {  	[smem:$0x3FB9] =	sst s10  }
0x32: {  	s10 =	sld [smem:$0x3FB7];
	_ =	sdelay $0x3  }
0x33: {  	p0 =	seq.s32 s10, $0x1;
	s10 =	sld [smem:$0x3FB9];
	_ =	sdelay $0x3  }
0x34: {  	[smem:$0x3FB9] =	sst s10  }
0x35: {  	s10 =	sld [smem:$0x3FB8];
	_ =	sdelay $0x3  }
0x36: {  	p1 =	seq.s32 s10, $0x1;
	s10 =	sld [smem:$0x3FB9];
	_ =	sdelay $0x3  }
0x37: {  	[smem:$0x3FB9] =	sst s10  }
0x38: {  	s10 =	sld [smem:$0x3FBA]  }
0x39: {  	_ = 	snop;
	(pc) =	sbr.ind lr, $3  }
0x3a: {  	_ = 	snop  }
0x3b: {  	_ = 	snop  }
0x3c: {  	p2 =	seq.s32 s10, $0x1;
	s10 =	sld [smem:$0x3FB9]  }
0x3d: {  	_ =	shalt  }
0x3e: {  	_ =	shalt  }
0x3f: {  	_ =	shalt  }
0x40: {  	_ =	shalt  }
0x41: {  	_ =	shalt  }
0x42: {  	_ =	shalt  }
0x43: {  	_ =	shalt  }
0x44: {  	_ =	shalt  }
0x45: {  	_ =	shalt  }
0x46: {  	_ =	shalt  }
0x47: {  	_ =	shalt  }
0x48: {  	_ =	shalt  }
0x49: {  	_ =	shalt  }
0x4a: {  	_ =	shalt  }
0x4b: {  	_ =	shalt  }
0x4c: {  	_ =	shalt  }
0x4d: {  	_ =	shalt  }
0x4e: {  	_ =	shalt  }
0x4f: {  	_ =	shalt  }
0x50: {  	_ =	shalt  }
0x51: {  	_ =	shalt  }
0x52: {  	_ =	shalt  }
0x53: {  	_ =	shalt  }
0x54: {  	_ =	shalt  }
0x55: {  	_ =	shalt  }
0x56: {  	_ =	shalt  }
0x57: {  	_ =	shalt  }
0x58: {  	_ =	shalt  }
0x59: {  	_ =	shalt  }
0x5a: {  	_ =	shalt  }
0x5b: {  	_ =	shalt  }
0x5c: {  	_ =	shalt  }
0x5d: {  	_ =	shalt  }
0x5e: {  	_ =	shalt  }
0x5f: {  	_ =	shalt  }
0x60: {  	_ =	shalt  }
0x61: {  	_ =	shalt  }
0x62: {  	_ =	shalt  }
0x63: {  	_ =	shalt  }
0x64: {  	_ =	shalt  }
0x65: {  	_ =	shalt  }
0x66: {  	_ =	shalt  }
0x67: {  	_ =	shalt  }
0x68: {  	_ =	shalt  }
0x69: {  	_ =	shalt  }
0x6a: {  	_ =	shalt  }
0x6b: {  	_ =	shalt  }
0x6c: {  	_ =	shalt  }
0x6d: {  	_ =	shalt  }
0x6e: {  	_ =	shalt  }
0x6f: {  	_ =	shalt  }
0x70: {  	_ =	shalt  }
0x71: {  	_ =	shalt  }
0x72: {  	_ =	shalt  }
0x73: {  	_ =	shalt  }
0x74: {  	_ =	shalt  }
0x75: {  	_ =	shalt  }
0x76: {  	_ =	shalt  }
0x77: {  	_ =	shalt  }
0x78: {  	_ =	shalt  }
0x79: {  	_ =	shalt  }
0x7a: {  	_ =	shalt  }
0x7b: {  	_ =	shalt  }
0x7c: {  	_ =	shalt  }
0x7d: {  	_ =	shalt  }
0x7e: {  	_ =	shalt  }
0x7f: {  	_ =	shalt  }
0x80: {  	_ =	shalt  }
0x81: {  	_ =	shalt  }
0x82: {  	_ =	shalt  }
0x83: {  	_ =	shalt  }
0x84: {  	_ =	shalt  }
0x85: {  	_ =	shalt  }
0x86: {  	_ =	shalt  }
0x87: {  	_ =	shalt  }
.Lfunc_end0:
.L_simem_size_0:
called_computation.1_lowered:
.L_overlay_start_0:
0x88: {  	s2 =	sld [smem:$0x3FD9]  }
0x89: {  	s3 =	sld [smem:$0x3FFE];
	_ =	sdelay $0x1  }
0x8a: {  	s1 =	srdreg.scid  }
0x8b: {  	s0 =	sand.u32 $0x1, s1  }
0x8c: {  	s17 =	sshll.u32 s0, $0xA;
	s2 =	sadd.s32 s3, s2  }
0x8d: {  	s2 =	sadd.s32 s2, s17  }
0x8e: {  	[smem:$0x3FC5] =	sst s2  }
0x8f: {  	_ = 	snop  }
0x90: {  	s2 =	sld [smem:$0x3FD0];
	(tm) =	ssettm $0x1  }
0x91: {  	s18 =	sld [smem:$0x3FFB];
	_ =	sdelay $0x3  }
0x92: {  	_ =	strace s18  }
0x93: {  	s3 =	sld [smem:$0x3FFC];
	_ =	sdelay $0x3  }
0x94: {  	_ =	strace s3  }
0x95: {  	s3 =	sld [smem:$0x3FFD];
	_ =	sdelay $0x3  }
0x96: {  	_ =	strace s3  }
0x97: {  	_ =	strace $0x8FFFFFFF  }
0x98: {  	s19 =	sld [smem:$0x3FDB];
	_ =	sdelay $0x1  }
0x99: {  	s4 =	simm.s32 $_scs_section_size  }
0x9a: {  	s5 =	simm.s32 $_size__tile_overlayer_lowered;
	s6 =	simm.s32 $_tile_overlayer_lowered  }
0x9b: {  	s22 =	simm.s32 $0x1BFF;
	s21 =	sshll.u32 s6, $0x1;
	s3 =	sadd.s32 s4, s19  }
0x9c: {  	s7 =	simm.s32 $0x0;
	s20 =	sshll.u32 s5, $0x1;
	s5 =	sadd.s32 s21, s3  }
0x9d: {  	[timem:s7], [sflag:s22] =	dma.local [hbm:s5], s20  }
0x9e: {  	_ =	swait.ge [sflag:s22], s20  }
0x9f: {  	s4 =	ssub.s32 $0x0, s20;
	[sflag:s22] =	ssyncset.done $0x0  }
0xa0: {  	[sflag:s22] =	ssyncadd.s32 s4;
	_ =	sdelay $0x1  }
0xa1: {  	s23 =	simm.s32 $0x1B8B  }
0xa2: {  	_ =	swait.ge [sflag:s23], $0x1  }
0xa3: {  	[sflag:s23] =	ssyncset.done $0x0  }
0xa4: {  	s25 =	simm.s32 $0x1B8E;
	s24 =	sld [smem:$0x3FFE];
	[sflag:s23] =	ssyncadd.s32 $0xFFFFFFFF  }
0xa5: {  	s26 =	simm.s32 $execute0_lowered;
	[smem:$0x3FD2] =	sst s25  }
0xa6: {  	s5 =	sshll.u32 s26, $0x1;
	_ =	strace $0x80000049;
	[dreg:$0x1] =	wrdreg $0xFFFFFFFF  }
0xa7: {  	s28 =	simm.s32 $_size_execute0_lowered;
	s3 =	sadd.s32 s3, s5;
	[dreg:$0x0] =	wrdreg $0x0  }
0xa8: {  	s5 =	sshll.u32 s28, $0x1;
	[dreg:$0x2] =	wrdreg s3  }
0xa9: {  	[dreg:$0x3] =	wrdreg s5  }
0xaa: {  	[dreg:$0x4] =	wrdreg $0xC0  }
0xab: {  	_ =	task [dreg:s7], $0x5FFFF  }
0xac: {  	[dreg:$0x1] =	wrdreg $0xFFFFFFFF  }
0xad: {  	[dreg:$0x0] =	wrdreg $0x60  }
0xae: {  	[dreg:$0x2] =	wrdreg s2  }
0xaf: {  	[dreg:$0x3] =	wrdreg s24  }
0xb0: {  	[dreg:$0x4] =	wrdreg $0x9  }
0xb1: {  	_ =	task.clear_ibuf [dreg:s7], $0x5FFFF;
	_ =	strace $0x90000049  }
0xb2: {  	s29 =	simm.s32 $0x9;
	_ =	strace $0x8000004B  }
0xb3: {  	_ =	swait.ge [sflag:s29], $0x1  }
0xb4: {  	[sflag:s29] =	ssyncadd.s32 $0xFFFFFFFF  }
0xb5: {  	_ =	strace $0x9000004B  }
0xb6: {  	_ =	sfence  }
0xb7: {  	s30 =	sld [smem:$0x0];
	_ =	sdelay $0x2  }
0xb8: {  	s31 =	sshll.u32 s1, $0xD;
	s1 =	sshrl.u32 s1, $0x2  }
0xb9: {  	s3 =	sand.u32 $0x4000, s31;
	s1 =	sadd.s32 s1, s30  }
0xba: {  	s0 =	sor.u32 s3, s0;
	s1 =	sshll.u32 s1, $0x11  }
0xbb: {  	s0 =	sor.u32 s1, s0  }
0xbc: {  	s0 =	sadd.s32 $0x8F2B, s0  }
0xbd: {  	[sflag:s0] =	ssyncadd.remote.s32 $0x1  }
0xbe: {  	_ =	sfence.sel $0xFFFF  }
0xbf: {  	[dreg:$0x0] =	wrdreg $0xFFFFFFFF;
	(pc) =	sbr.abs _section_cstart, $3  }
0xc0: {  	[dreg:$0x1] =	wrdreg $0xFFFFFFFF  }
0xc1: {  	_ =	task.clear_ibuf [dreg:s7], $0x2FFFF;
	_ =	strace $0x9FFFFFFF  }
0xc2: {  	(tm) =	ssettm $0x7FFFFFFF  }
0xc3: {  	_ =	shalt  }
tec
execute0_lowered:
.L_overlay_start_1:
0x0: {  	(tag) =	ssettag $0x1  }
0x1: {  	s0 =	rddreg [dreg:$0x0]  }
0x2: {  	s1 =	rddreg [dreg:$0x1]  }
0x3: {  	s2 =	simm.s32 $0x0;
	s3 =	srdreg.scid;
	s4 =	stileid.u32  }
0x4: {  	s8 =	simm.s32 $0x80;
	s9 =	simm.s32 $0x1000;
	s10 =	simm.s32 $0x2  }
0x5: {  	s29 =	simm.s32 $0xA00;
	s30 =	simm.s32 $0xAD00;
	s31 =	simm.s32 $0xA80  }
0x6: {  	s11 =	simm.s32 $0xBD00;
	s12 =	simm.s32 $0xB80;
	s13 =	simm.s32 $0xC500  }
0x7: {  	s14 =	simm.s32 $0xC00;
	s15 =	simm.s32 $0xCD00;
	s16 =	simm.s32 $0xC80  }
0x8: {  	s17 =	simm.s32 $0xD500;
	s18 =	simm.s32 $0x1;
	s19 =	simm.s32 $0xDD00  }
0x9: {  	s20 =	simm.s32 $0x0;
	[smem:$0x7FF] =	sst s2;
	s3 =	sand.u32 $0x1, s3  }
0xa: {  	s4 =	sshll.u32 s4, $0x5;
	_ =	strace $0x8000004A;
	s5 =	sshll.u32 s3, $0x4  }
0xb: {  	s6 =	ssub.s32 $0x2, s3;
	s3 =	sadd.s32 $0xE00, s1;
	s5 =	sor.u32 s5, s4  }
0xc: {  	s7 =	sshrl.u32 s6, $0x1;
	s4 =	sadd.s32 $0x1E9400, s1;
	s1 =	sadd.s32 s5, s1  }
0xd: {  	v0 =	vlaneseq.u32;
	s7 =	ssub.s32 s6, s7;
	s5 =	sadd.s32 s0, s5;
	s0 =	simm.s32 $0xB500  }
0xe: {  	v0 =	vmul.u32 $0x80, v0;
	s6 =	sadd.s32 $0x1E9600, s1;
	s7 =	smax.u32 s7, $0x1;
	s1 =	simm.s32 $0xB00  }
.LBB2_1:
0xf: {  	[tilespmem:s2], [sflag:$0x2] =	stream.strided.gather [hbm4b:s5+s8], $0xD00, s9, s8, $0x38;
	[tilespmem:$0x1AEA0] =	vst v63  }
0x10: {  	_ =	swait.ge [sflag:s10], $0xD00  }
0x11: {  	[sflag:s10] =	ssyncset.done $0x0  }
0x12: {  	s21 =	simm.s32 $0x1AD00;
	[sflag:s10] =	ssyncadd.s32 $0xFFFFF300  }
0x13: {  	[tilespmem:s21], [sflag:$0x2] =	stream.linear.gather [hbm4b:s4+s2], $0x1A0, $0x38;
	[tilespmem:$0x1AEA0] =	vst v63  }
0x14: {  	_ =	swait.ge [sflag:s10], $0x1A0  }
0x15: {  	[sflag:s10] =	ssyncset.done $0x0  }
0x16: {  	s28 =	simm.s32 $0xD00;
	[sflag:s10] =	ssyncadd.s32 $0xFFFFFE60  }
0x17: {  	[tilespmem:s28], [sflag:$0x1] =	stream.indirect.gather [hbm4b:s3+s8], $0x10, s2, s8, $0xb8;
	[tilespmem:$0x1AEA0] =	vst v63  }
0x18: {  	s22 =	simm.s32 $0x1500  }
0x19: {  	[tilespmem:s22], [sflag:$0x1] =	stream.indirect.gather [hbm4b:s3+s8], $0x10, s8, s8, $0xb8;
	[tilespmem:$0x1AEA0] =	vst v63  }
0x1a: {  	s23 =	simm.s32 $0x100;
	s22 =	simm.s32 $0x1D00  }
0x1b: {  	[tilespmem:s22], [sflag:$0x1] =	stream.indirect.gather [hbm4b:s3+s8], $0x10, s23, s8, $0xb8;
	[tilespmem:$0x1AEA0] =	vst v63  }
0x1c: {  	s24 =	simm.s32 $0x180;
	s25 =	simm.s32 $0x2500  }
0x1d: {  	[tilespmem:s25], [sflag:$0x1] =	stream.indirect.gather [hbm4b:s3+s8], $0x10, s24, s8, $0xb8;
	[tilespmem:$0x1AEA0] =	vst v63  }
0x1e: {  	s26 =	simm.s32 $0x200;
	s28 =	simm.s32 $0x2D00  }
0x1f: {  	[tilespmem:s28], [sflag:$0x1] =	stream.indirect.gather [hbm4b:s3+s8], $0x10, s26, s8, $0xb8;
	[tilespmem:$0x1AEA0] =	vst v63  }
0x20: {  	s22 =	simm.s32 $0x280;
	s23 =	simm.s32 $0x3500  }
0x21: {  	[tilespmem:s23], [sflag:$0x1] =	stream.indirect.gather [hbm4b:s3+s8], $0x10, s22, s8, $0xb8;
	[tilespmem:$0x1AEA0] =	vst v63  }
0x22: {  	s24 =	simm.s32 $0x300;
	s25 =	simm.s32 $0x3D00  }
0x23: {  	[tilespmem:s25], [sflag:$0x1] =	stream.indirect.gather [hbm4b:s3+s8], $0x10, s24, s8, $0xb8;
	[tilespmem:$0x1AEA0] =	vst v63  }
0x24: {  	s26 =	simm.s32 $0x380;
	s28 =	simm.s32 $0x4500  }
0x25: {  	[tilespmem:s28], [sflag:$0x1] =	stream.indirect.gather [hbm4b:s3+s8], $0x10, s26, s8, $0xb8;
	[tilespmem:$0x1AEA0] =	vst v63  }
0x26: {  	s22 =	simm.s32 $0x400;
	s23 =	simm.s32 $0x4D00  }
0x27: {  	[tilespmem:s23], [sflag:$0x1] =	stream.indirect.gather [hbm4b:s3+s8], $0x10, s22, s8, $0xb8;
	[tilespmem:$0x1AEA0] =	vst v63  }
0x28: {  	s24 =	simm.s32 $0x480;
	s25 =	simm.s32 $0x5500  }
0x29: {  	[tilespmem:s25], [sflag:$0x1] =	stream.indirect.gather [hbm4b:s3+s8], $0x10, s24, s8, $0xb8;
	[tilespmem:$0x1AEA0] =	vst v63  }
0x2a: {  	s26 =	simm.s32 $0x500;
	s28 =	simm.s32 $0x5D00  }
0x2b: {  	[tilespmem:s28], [sflag:$0x1] =	stream.indirect.gather [hbm4b:s3+s8], $0x10, s26, s8, $0xb8;
	[tilespmem:$0x1AEA0] =	vst v63  }
0x2c: {  	s22 =	simm.s32 $0x580;
	s23 =	simm.s32 $0x6500  }
0x2d: {  	[tilespmem:s23], [sflag:$0x1] =	stream.indirect.gather [hbm4b:s3+s8], $0x10, s22, s8, $0xb8;
	[tilespmem:$0x1AEA0] =	vst v63  }
0x2e: {  	s24 =	simm.s32 $0x600;
	s25 =	simm.s32 $0x6D00  }
0x2f: {  	[tilespmem:s25], [sflag:$0x1] =	stream.indirect.gather [hbm4b:s3+s8], $0x10, s24, s8, $0xb8;
	[tilespmem:$0x1AEA0] =	vst v63  }
0x30: {  	s26 =	simm.s32 $0x680;
	s28 =	simm.s32 $0x7500  }
0x31: {  	[tilespmem:s28], [sflag:$0x1] =	stream.indirect.gather [hbm4b:s3+s8], $0x10, s26, s8, $0xb8;
	[tilespmem:$0x1AEA0] =	vst v63  }
0x32: {  	s22 =	simm.s32 $0x700;
	s23 =	simm.s32 $0x7D00  }
0x33: {  	[tilespmem:s23], [sflag:$0x1] =	stream.indirect.gather [hbm4b:s3+s8], $0x10, s22, s8, $0xb8;
	[tilespmem:$0x1AEA0] =	vst v63  }
0x34: {  	s24 =	simm.s32 $0x780;
	s25 =	simm.s32 $0x8500  }
0x35: {  	[tilespmem:s25], [sflag:$0x1] =	stream.indirect.gather [hbm4b:s3+s8], $0x10, s24, s8, $0xb8;
	[tilespmem:$0x1AEA0] =	vst v63  }
0x36: {  	s26 =	simm.s32 $0x800;
	s28 =	simm.s32 $0x8D00  }
0x37: {  	[tilespmem:s28], [sflag:$0x1] =	stream.indirect.gather [hbm4b:s3+s8], $0x10, s26, s8, $0xb8;
	[tilespmem:$0x1AEA0] =	vst v63  }
0x38: {  	s22 =	simm.s32 $0x880;
	s23 =	simm.s32 $0x9500  }
0x39: {  	[tilespmem:s23], [sflag:$0x1] =	stream.indirect.gather [hbm4b:s3+s8], $0x10, s22, s8, $0xb8;
	[tilespmem:$0x1AEA0] =	vst v63  }
0x3a: {  	s24 =	simm.s32 $0x900;
	s25 =	simm.s32 $0x9D00  }
0x3b: {  	[tilespmem:s25], [sflag:$0x1] =	stream.indirect.gather [hbm4b:s3+s8], $0x10, s24, s8, $0xb8;
	[tilespmem:$0x1AEA0] =	vst v63  }
0x3c: {  	s26 =	simm.s32 $0x980;
	s28 =	simm.s32 $0xA500  }
0x3d: {  	[tilespmem:s28], [sflag:$0x1] =	stream.indirect.gather [hbm4b:s3+s8], $0x10, s26, s8, $0xb8;
	[tilespmem:$0x1AEA0] =	vst v63  }
0x3e: {  	_ = 	snop  }
0x3f: {  	[tilespmem:s30], [sflag:$0x1] =	stream.indirect.gather [hbm4b:s3+s8], $0x10, s29, s8, $0xb8;
	[tilespmem:$0x1AEA0] =	vst v63  }
0x40: {  	_ = 	snop  }
0x41: {  	[tilespmem:s0], [sflag:$0x1] =	stream.indirect.gather [hbm4b:s3+s8], $0x10, s31, s8, $0xb8;
	[tilespmem:$0x1AEA0] =	vst v63  }
0x42: {  	_ = 	snop  }
0x43: {  	[tilespmem:s11], [sflag:$0x1] =	stream.indirect.gather [hbm4b:s3+s8], $0x10, s1, s8, $0xb8;
	[tilespmem:$0x1AEA0] =	vst v63  }
0x44: {  	_ = 	snop  }
0x45: {  	[tilespmem:s13], [sflag:$0x1] =	stream.indirect.gather [hbm4b:s3+s8], $0x10, s12, s8, $0xb8;
	[tilespmem:$0x1AEA0] =	vst v63  }
0x46: {  	_ = 	snop  }
0x47: {  	[tilespmem:s15], [sflag:$0x1] =	stream.indirect.gather [hbm4b:s3+s8], $0x10, s14, s8, $0xb8;
	[tilespmem:$0x1AEA0] =	vst v63  }
0x48: {  	_ = 	snop  }
0x49: {  	[tilespmem:s17], [sflag:$0x1] =	stream.indirect.gather [hbm4b:s3+s8], $0x10, s16, s8, $0xb8;
	[tilespmem:$0x1AEA0] =	vst v63  }
0x4a: {  	_ =	swait.ge [sflag:s18], $0xD000  }
0x4b: {  	[sflag:s18] =	ssyncset.done $0x0  }
0x4c: {  	s22 =	simm.s32 $0x0;
	s25 =	simm.s32 $0xD20;
	[sflag:s18] =	ssyncadd.s32 $0xFFFF3000  }
.LBB2_2:
0x4d: {  	s21 =	simm.s32 $0x0  }
0x4e: {  	s23 =	sshll.u32 s22, $0x4;
	v2 =	vmov s21  }
0x4f: {  	v4 =	vld [tilespmem:s25+$0xFFFFFFE0];
	v3 =	vmov s23;
	v2 =	vand.u32 $0x7C, v2  }
0x50: {  	v1 =	vld [tilespmem:s23+$0x1AD00];
	v3 =	vshll.u32 v3, $0x7;
	v5 =	vbroadcast v2, $0x0  }
0x51: {  	v2 =	vor.u32 v0, v3  }
0x52: {  	v3 =	vor.u32 v2, v5;
	_ =	sdelay $0x2  }
0x53: {  	s24 =	simm.s32 $0x1;
	v4 =	vmul.f32 v4, v1  }
0x54: {  	v5 =	vmov s24  }
0x55: {  	[tilespmem:v3+s19+$0x0] =	vst.idx.msk $0xffff, v4;
	v3 =	vand.u32 $0x7D, v5  }
0x56: {  	v4 =	vld [tilespmem:s25+$0xFFFFFFF0];
	v3 =	vbroadcast v3, $0x0;
	_ =	sdelay $0x1  }
0x57: {  	v3 =	vor.u32 v2, v3;
	_ =	sdelay $0x2  }
0x58: {  	s26 =	simm.s32 $0x2;
	v4 =	vmul.f32 v4, v1  }
0x59: {  	v5 =	vmov s26  }
0x5a: {  	[tilespmem:v3+s19+$0x0] =	vst.idx.msk $0xffff, v4;
	v3 =	vand.u32 $0x7E, v5  }
0x5b: {  	v4 =	vld [tilespmem:s25+$0x0];
	v3 =	vbroadcast v3, $0x0;
	_ =	sdelay $0x1  }
0x5c: {  	v3 =	vor.u32 v2, v3;
	_ =	sdelay $0x2  }
0x5d: {  	v4 =	vmul.f32 v4, v1  }
0x5e: {  	s28 =	simm.s32 $0x3  }
0x5f: {  	[tilespmem:v3+s19+$0x0] =	vst.idx.msk $0xffff, v4;
	v3 =	vmov s28  }
0x60: {  	v3 =	vand.u32 $0x7F, v3  }
0x61: {  	v4 =	vld [tilespmem:s25+$0x10];
	v3 =	vbroadcast v3, $0x0;
	_ =	sdelay $0x1  }
0x62: {  	v3 =	vor.u32 v2, v3;
	_ =	sdelay $0x1  }
0x63: {  	s23 =	simm.s32 $0x4  }
0x64: {  	s21 =	smov.u32 s25;
	s24 =	simm.s32 $0x8;
	v5 =	vmov s23;
	v4 =	vmul.f32 v4, v1  }
.LBB2_3:
0x65: {  	p0 =	sne.s32 s24, $0x7C  }
0x66: {  	v5 =	vand.u32 $0x7C, v5;
	[tilespmem:v3+s19+$0x0] =	vst.idx.msk $0xffff, v4;
	s21 =	sadd.s32 $0x40, s21;
	s26 =	smov.u32 s24;
	s24 =	sadd.s32 $0x4, s24  }
0x67: {  	v3 =	vld [tilespmem:s21+$0xFFFFFFE0];
	v4 =	vbroadcast v5, $0x0;
	_ =	sdelay $0x1  }
0x68: {  	v4 =	vor.u32 v2, v4;
	_ =	sdelay $0x2  }
0x69: {  	s28 =	sadd.s32 $0x1, s23;
	v3 =	vmul.f32 v3, v1  }
0x6a: {  	v5 =	vmov s28  }
0x6b: {  	[tilespmem:v4+s19+$0x0] =	vst.idx.msk $0xffff, v3;
	v3 =	vand.u32 $0x7D, v5  }
0x6c: {  	v4 =	vld [tilespmem:s21+$0xFFFFFFF0];
	v3 =	vbroadcast v3, $0x0;
	_ =	sdelay $0x1  }
0x6d: {  	v3 =	vor.u32 v2, v3;
	_ =	sdelay $0x2  }
0x6e: {  	s28 =	sadd.s32 $0x2, s23;
	v4 =	vmul.f32 v4, v1  }
0x6f: {  	v5 =	vmov s28  }
0x70: {  	[tilespmem:v3+s19+$0x0] =	vst.idx.msk $0xffff, v4;
	v3 =	vand.u32 $0x7E, v5  }
0x71: {  	v4 =	vld [tilespmem:s21+$0x0];
	v3 =	vbroadcast v3, $0x0;
	_ =	sdelay $0x1  }
0x72: {  	v3 =	vor.u32 v2, v3;
	_ =	sdelay $0x2  }
0x73: {  	s28 =	sadd.s32 $0x3, s23;
	s23 =	smov.u32 s26;
	v4 =	vmul.f32 v4, v1  }
0x74: {  	v5 =	vmov s28  }
0x75: {  	[tilespmem:v3+s19+$0x0] =	vst.idx.msk $0xffff, v4;
	v3 =	vand.u32 $0x7F, v5  }
0x76: {  	v4 =	vld [tilespmem:s21+$0x10];
	v3 =	vbroadcast v3, $0x0;
	_ =	sdelay $0x1  }
.Ltmp0:
0x77: {  	v3 =	vor.u32 v2, v3;
	(pc) =	sbr.rel @p0 .LBB2_3-.Ltmp0, $3  }
0x78: {  	_ =	sdelay $0x1  }
0x79: {  	v4 =	vmul.f32 v4, v1  }
0x7a: {  	v5 =	vmov s23  }
0x7b: {  	_ =	sdelay $0x3  }
0x7c: {  	v5 =	vand.u32 $0x7C, v5;
	[tilespmem:v3+s19+$0x0] =	vst.idx.msk $0xffff, v4;
	s21 =	sadd.s32 $0x40, s21  }
0x7d: {  	v3 =	vld [tilespmem:s21+$0xFFFFFFE0];
	v60 =	vbroadcast v5, $0x0;
	_ =	sdelay $0x1  }
0x7e: {  	v4 =	vor.u32 v2, v60;
	_ =	sdelay $0x2  }
0x7f: {  	s24 =	sadd.s32 $0x1, s23;
	v3 =	vmul.f32 v3, v1  }
0x80: {  	v61 =	vmov s24  }
0x81: {  	[tilespmem:v4+s19+$0x0] =	vst.idx.msk $0xffff, v3;
	v3 =	vand.u32 $0x7D, v61  }
0x82: {  	v4 =	vld [tilespmem:s21+$0xFFFFFFF0];
	v3 =	vbroadcast v3, $0x0;
	_ =	sdelay $0x1  }
0x83: {  	v3 =	vor.u32 v2, v3;
	_ =	sdelay $0x2  }
0x84: {  	s26 =	sadd.s32 $0x2, s23;
	v4 =	vmul.f32 v4, v1  }
0x85: {  	v62 =	vmov s26  }
0x86: {  	[tilespmem:v3+s19+$0x0] =	vst.idx.msk $0xffff, v4;
	v3 =	vand.u32 $0x7E, v62  }
0x87: {  	v4 =	vld [tilespmem:s21+$0x0];
	v3 =	vbroadcast v3, $0x0;
	_ =	sdelay $0x1  }
0x88: {  	v3 =	vor.u32 v2, v3;
	_ =	sdelay $0x2  }
0x89: {  	s28 =	sadd.s32 $0x3, s23;
	v4 =	vmul.f32 v4, v1  }
0x8a: {  	v63 =	vmov s28  }
0x8b: {  	[tilespmem:v3+s19+$0x0] =	vst.idx.msk $0xffff, v4;
	v3 =	vand.u32 $0x7F, v63  }
0x8c: {  	v4 =	vld [tilespmem:s21+$0x10];
	v3 =	vbroadcast v3, $0x0  }
0x8d: {  	s22 =	sadd.s32 $0x1, s22  }
0x8e: {  	p0 =	sne.s32 s22, $0x1A;
	v2 =	vor.u32 v2, v3  }
.Ltmp1:
0x8f: {  	_ = 	snop;
	(pc) =	sbr.rel @p0 .LBB2_2-.Ltmp1, $3  }
0x90: {  	_ = 	snop  }
0x91: {  	v1 =	vmul.f32 v4, v1;
	_ =	sdelay $0x1  }
0x92: {  	s25 =	sadd.s32 $0x800, s25;
	[tilespmem:v2+s19+$0x0] =	vst.idx.msk $0xffff, v1  }
0x93: {  	s20 =	sadd.s32 $0x1, s20  }
0x94: {  	p0 =	sne.s32 s20, s7  }
.Ltmp2:
0x95: {  	_ = 	snop;
	(pc) =	sbr.rel @p0 .LBB2_1-.Ltmp2, $4  }
0x96: {  	[hbm4b:s6+s8] =	stream.strided.scatter [tilespmem:s19], [sflag:$0x2], $0xD000, s9, s8, $0x38;
	[tilespmem:$0x1AEA0] =	vst v63  }
0x97: {  	_ =	swait.ge [sflag:s10], $0xD000  }
0x98: {  	[sflag:s10] =	ssyncset.done $0x0  }
0x99: {  	[sflag:s10] =	ssyncadd.s32 $0xFFFF3000  }
0x9a: {  	_ =	sfence.sel $0x180000  }
0x9b: {  	[bflag:$0x0] =	sbarrier.arrive $0xFFFF  }
0x9c: {  	_ =	strace $0x9000004A  }
0x9d: {  	s0 =	stileid.u32;
	[bflag:$0x2] =	sbarrier.arrive $0xFFFF  }
0x9e: {  	p0 =	sne.s32 s0, $0x0;
	s0 =	rddreg [dreg:$0x2]  }
0x9f: {  	s0 =	sadd.s32 @!p0 $0x100000, s0  }
0xa0: {  	[sflag:s0] =	ssyncadd.tile.s32 @!p0 $0x1;
	_ =	shalt  }
.Lfunc_end2:
_tile_overlayer_lowered:
.L_overlay_start_2:
0xa1: {  	(tag) =	ssettag $0x2  }
0xa2: {  	s0 =	rddreg [dreg:$0x0];
	s2 =	stileid.u32  }
0xa3: {  	s1 =	rddreg [dreg:$0x1];
	p0 =	sne.s32 s2, $0x0  }
0xa4: {  	s3 =	rddreg [dreg:$0x2];
	[bflag:$0x3] =	sbarrier.arrive $0xFFFF;
	s2 =	simm.s32 @!p0 $0x1C02  }
0xa5: {  	[timem:s3], [sflag:s2] =	dma.local @!p0 [hbm:s0], s1  }
0xa6: {  	s0 =	simm.s32 @!p0 $0x2  }
0xa7: {  	_ =	swait.ge @!p0 [sflag:s0], s1  }
0xa8: {  	s1 =	ssub.s32 @!p0 $0x0, s1;
	[sflag:s0] =	ssyncset.done @!p0 $0x0  }
0xa9: {  	[sflag:s0] =	ssyncadd.s32 @!p0 s1  }
0xaa: {  	[bflag:$0x3] =	sbarrier.arrive $0xFFFF  }
0xab: {  	_ =	shalt  }

</sc_bundles>
